<compile_context>
chip_gen: v7x
topology: tpu7x:2x2x1
jax: 0.10.2.dev20260603
libtpu: 0.0.44.dev20260713+nightly
codegen_flags: <defaults>
</compile_context>

<pallas_src>
import functools

import jax
import jax.numpy as jnp
from jax import lax
from jax.experimental import pallas as pl
from jax.experimental.pallas import tpu as pltpu
from jax.experimental.pallas import tpu_sc as plsc

_K = 8192
_D = 64
_N = 8192
_BETA = 0.25

_TM = 256
_TK = 4096
_NI = _N // _TM
_NJ = _K // _TK
_NS = _TK // 128


def _argmin_body(z_ref, e_ref, out_ref, em2_ref):
    em2_ref[...] = e_ref[...] * -2.0
    lane = lax.broadcasted_iota(jnp.int32, (_TM, 128), 1).astype(jnp.float32)

    def row_tile(i, _):
        roff = pl.multiple_of(i * _TM, _TM)
        z = z_ref[pl.ds(roff, _TM), :]
        zsq = jnp.sum(z * z, axis=1, keepdims=True)
        bestv = jnp.full((_TM, 1), jnp.inf, jnp.float32)
        besti = jnp.zeros((_TM, 1), jnp.float32)
        for j in range(_NJ):
            em2 = em2_ref[pl.ds(j * _TK, _TK), :]
            m2 = lax.dot_general(z, em2, (((1,), (1,)), ((), ())),
                                 preferred_element_type=jnp.float32)
            runv = jnp.full((_TM, 128), jnp.inf, jnp.float32)
            runs = jnp.zeros((_TM, 128), jnp.float32)
            for s in range(_NS):
                d = zsq + m2[:, s * 128:(s + 1) * 128]
                cond = d < runv
                runv = jnp.where(cond, d, runv)
                runs = jnp.where(cond, jnp.float32(s), runs)
            rmin = jnp.min(runv, axis=1, keepdims=True)
            colf = runs * 128.0 + lane
            lidx = jnp.min(jnp.where(runv == rmin, colf, jnp.float32(_K)),
                           axis=1, keepdims=True)
            gidx = lidx + jnp.float32(j * _TK)
            better = rmin < bestv
            besti = jnp.where(better, gidx, besti)
            bestv = jnp.where(better, rmin, bestv)
            bestv = bestv.astype(jnp.bfloat16).astype(jnp.float32)
        out_ref[pl.ds(roff, _TM), :] = besti.astype(jnp.int32)
        return 0

    lax.fori_loop(0, _NI, row_tile, 0)


def _argmin_call(z_flat, embedding):
    return pl.pallas_call(
        _argmin_body,
        out_shape=jax.ShapeDtypeStruct((_N, 1), jnp.int32),
        scratch_shapes=[pltpu.VMEM((_K, _D), jnp.float32)],
    )(z_flat, embedding)


_NC, _NSC = 2, 16
_NW = _NC * _NSC
_RPW = _N // _NW
_CH = 128
_NCH = _RPW // _CH
_LG = _D // 16


@functools.cache
def _make_sc_fused():
    mesh = plsc.VectorSubcoreMesh(core_axis_name="c", subcore_axis_name="s",
                                  num_cores=_NC, num_subcores=_NSC)

    @functools.partial(
        pl.kernel,
        out_type=(
            jax.ShapeDtypeStruct((_NW, _RPW, _D), jnp.float32),
            jax.ShapeDtypeStruct((_NW, 16), jnp.float32),
        ),
        mesh=mesh,
        scratch_types=[
            pltpu.VMEM((_NCH, _CH), jnp.int32),
            pltpu.VMEM((_RPW, _D), jnp.float32),
            pltpu.VMEM((_RPW, _D), jnp.float32),
            pltpu.VMEM((16,), jnp.float32),
            pltpu.SemaphoreType.DMA,
        ],
        compiler_params=pltpu.CompilerParams(use_tc_tiling_on_sc=False),
    )
    def _sc_fused(table_hbm, idx_hbm, z_hbm, st_hbm, loss_hbm,
                  idx_v, rows_v, z_v, acc_v, sem):
        wid = lax.axis_index("s") * _NC + lax.axis_index("c")
        pltpu.sync_copy(idx_hbm.at[wid], idx_v)
        for c in range(_NCH):
            pltpu.async_copy(table_hbm.at[idx_v.at[c]],
                             rows_v.at[pl.ds(c * _CH, _CH)], sem).wait()
        pltpu.sync_copy(z_hbm.at[wid], z_v)

        def row(r, acc):
            for g in range(_LG):
                zv = z_v[r, pl.ds(g * 16, 16)]
                qv = rows_v[r, pl.ds(g * 16, 16)]
                diff = zv - qv
                rows_v[r, pl.ds(g * 16, 16)] = zv - diff
                acc = acc + diff * diff
            return acc

        acc = lax.fori_loop(0, _RPW, row, jnp.zeros((16,), jnp.float32))
        acc_v[...] = acc
        pltpu.sync_copy(rows_v, st_hbm.at[wid])
        pltpu.sync_copy(acc_v, loss_hbm.at[wid])

    return _sc_fused


def kernel(z_e, embedding):
    b, d, h, w = z_e.shape
    z_flat = jnp.transpose(z_e, (0, 2, 3, 1)).reshape(_N, _D)
    idx = _argmin_call(z_flat, embedding).reshape(_N)
    st_flat, loss_parts = _make_sc_fused()(
        embedding,
        idx.reshape(_NW, _NCH, _CH),
        z_flat.reshape(_NW, _RPW, _D),
    )
    st = jnp.transpose(st_flat.reshape(b, h, w, d), (0, 3, 1, 2))
    loss = loss_parts.sum() / jnp.float32(_N * _D)
    vq_loss = loss + _BETA * loss
    return (st, idx.reshape(b, h, w), vq_loss)

# --- scband reference (transcript-rebuilt; emitter-appended) ---
"""Pipeline reference for scband-vector-quantizer-39453569581549 (READ-ONLY COPY).

The authoritative reference and input builder live on the scoring server;
editing this copy changes nothing except your own understanding.
"""

import jax, jax.numpy as jnp
import numpy as np

K = 8192
D = 64
B, H, W = 8, 32, 32
BETA = 0.25


def setup_inputs(seed: int = 0) -> dict:
    key = jax.random.key(seed)
    k1, k2 = jax.random.split(key)
    z_e = jax.random.normal(k1, (B, D, H, W), dtype=jnp.float32)
    embedding = jax.random.uniform(k2, (K, D), dtype=jnp.float32, minval=-1.0 / K, maxval=1.0 / K)
    return {"z_e": z_e, "embedding": embedding}


def reference(z_e, embedding):
    b, d, h, w = z_e.shape
    z = jnp.transpose(z_e, (0, 2, 3, 1))
    z_flat = z.reshape(-1, d)
    e = embedding
    z_sq = jnp.sum(z_flat ** 2, axis=1, keepdims=True)
    e_sq = jnp.sum(e ** 2, axis=1)
    distances = z_sq + e_sq[None, :] - 2.0 * (z_flat @ e.T)
    indices = jnp.argmin(distances, axis=1)
    encodings = jax.nn.one_hot(indices, K, dtype=z_flat.dtype)
    z_q_flat = encodings @ e
    z_q = jnp.transpose(z_q_flat.reshape(b, h, w, d), (0, 3, 1, 2))
    codebook_loss = jnp.mean((jax.lax.stop_gradient(z_e) - z_q) ** 2)
    commitment_loss = jnp.mean((z_e - jax.lax.stop_gradient(z_q)) ** 2)
    vq_loss = codebook_loss + BETA * commitment_loss
    z_q_st = z_e + jax.lax.stop_gradient(z_q - z_e)
    indices_map = indices.reshape(b, h, w)
    return (z_q_st, indices_map, vq_loss)

if __name__ == "__main__":
    import jax
    _d = setup_inputs()
    print(jax.jit(kernel)(*tuple(_d.values())))

</pallas_src>

<mosaic_0001>
#map = affine_map<(d0, d1) -> (0, 0)>
#map1 = affine_map<(d0, d1) -> (0, 0, 0)>
module attributes {stable_mosaic.version = 14 : i64} {
  func.func @_sc_fused(%arg0: i32, %arg1: i32, %arg2: memref<8192x64xf32, #tpu.memory_space<hbm>>, %arg3: memref<32x2x128xi32, #tpu.memory_space<hbm>>, %arg4: memref<32x256x64xf32, #tpu.memory_space<hbm>>, %arg5: memref<32x256x64xf32, #tpu.memory_space<hbm>>, %arg6: memref<32x16xf32, #tpu.memory_space<hbm>>, %arg7: memref<2x128xi32, #tpu.memory_space<vmem>>, %arg8: memref<256x64xf32, #tpu.memory_space<vmem>>, %arg9: memref<256x64xf32, #tpu.memory_space<vmem>>, %arg10: memref<16xf32, #tpu.memory_space<vmem>>, %arg11: memref<!tpu.dma_semaphore, #tpu.memory_space<semaphore_mem>>) attributes {dimension_semantics = [#tpu.dimension_semantics<core_parallel>, #tpu.dimension_semantics<subcore_parallel>], iteration_bounds = array<i64: 2, 16>, scalar_prefetch = 0 : i64, scratch_operands = 5 : i64, tpu.core_type = #tpu.core_type<sc_vector_subcore>, window_params = [{transform_indices = #map}, {transform_indices = #map1}, {transform_indices = #map1}, {transform_indices = #map1}, {transform_indices = #map}]} {
    %mul3A = arith.constant 2 : i32
    %mul3A_0 = arith.muli %arg1, %mul3A : i32
    %add3A = arith.addi %mul3A_0, %arg0 : i32
    "tpu.region"() ({
      %run_scoped3A = tpu.sem_alloc : memref<!tpu.dma_semaphore, #tpu.memory_space<semaphore_mem>>
      %dma_start3A_48 = arith.constant 0 : i32
      %dma_start3A_49 = arith.constant 0 : i32
      %dma_start3A_50 = tpu.memref_slice %arg3[%add3A, %dma_start3A_48, %dma_start3A_49] : memref<32x2x128xi32, #tpu.memory_space<hbm>> -> memref<1x2x128xi32, #tpu.memory_space<hbm>>
      %dma_start3A_51 = tpu.memref_squeeze %dma_start3A_50 : memref<1x2x128xi32, #tpu.memory_space<hbm>> -> memref<2x128xi32, #tpu.memory_space<hbm>>
      %dma_start3A_52 = arith.constant 0 : i32
      %dma_start3A_53 = arith.constant 0 : i32
      %dma_start3A_54 = tpu.memref_slice %arg3[%add3A, %dma_start3A_52, %dma_start3A_53] : memref<32x2x128xi32, #tpu.memory_space<hbm>> -> memref<1x2x128xi32, #tpu.memory_space<hbm>>
      %dma_start3A_55 = tpu.memref_squeeze %dma_start3A_54 : memref<1x2x128xi32, #tpu.memory_space<hbm>> -> memref<2x128xi32, #tpu.memory_space<hbm>>
      tpu.enqueue_dma source(%dma_start3A_55 : memref<2x128xi32, #tpu.memory_space<hbm>>) target(%arg7 : memref<2x128xi32, #tpu.memory_space<vmem>>) target_semaphore(%run_scoped3A : memref<!tpu.dma_semaphore, #tpu.memory_space<semaphore_mem>>)
      %dma_wait3A_56 = arith.constant 0 : i32
      %dma_wait3A_57 = arith.constant 0 : i32
      %dma_wait3A_58 = tpu.memref_slice %arg3[%add3A, %dma_wait3A_56, %dma_wait3A_57] : memref<32x2x128xi32, #tpu.memory_space<hbm>> -> memref<1x2x128xi32, #tpu.memory_space<hbm>>
      %dma_wait3A_59 = tpu.memref_squeeze %dma_wait3A_58 : memref<1x2x128xi32, #tpu.memory_space<hbm>> -> memref<2x128xi32, #tpu.memory_space<hbm>>
      %dma_wait3A_60 = arith.constant 0 : i32
      %dma_wait3A_61 = arith.constant 0 : i32
      %dma_wait3A_62 = tpu.memref_slice %arg3[%add3A, %dma_wait3A_60, %dma_wait3A_61] : memref<32x2x128xi32, #tpu.memory_space<hbm>> -> memref<1x2x128xi32, #tpu.memory_space<hbm>>
      %dma_wait3A_63 = tpu.memref_squeeze %dma_wait3A_62 : memref<1x2x128xi32, #tpu.memory_space<hbm>> -> memref<2x128xi32, #tpu.memory_space<hbm>>
      tpu.wait_dma2 semaphore(%run_scoped3A : memref<!tpu.dma_semaphore, #tpu.memory_space<semaphore_mem>>) src(%dma_wait3A_63 : memref<2x128xi32, #tpu.memory_space<hbm>>) dst(%arg7 : memref<2x128xi32, #tpu.memory_space<vmem>>)
      tpu.yield
    }) : () -> ()
    %dma_start3A = arith.constant 0 : i32
    %dma_start3A_1 = arith.constant 0 : i32
    %dma_start3A_2 = arith.constant 0 : i32
    %dma_start3A_3 = tpu.memref_slice %arg8[%dma_start3A_1, %dma_start3A_2] : memref<256x64xf32, #tpu.memory_space<vmem>> -> memref<128x64xf32, #tpu.memory_space<vmem>>
    %dma_start3A_4 = arith.constant 0 : i32
    %dma_start3A_5 = tpu.memref_slice %arg7[%dma_start3A, %dma_start3A_4] : memref<2x128xi32, #tpu.memory_space<vmem>> -> memref<1x128xi32, #tpu.memory_space<vmem>>
    %dma_start3A_6 = tpu.memref_squeeze %dma_start3A_5 : memref<1x128xi32, #tpu.memory_space<vmem>> -> memref<128xi32, #tpu.memory_space<vmem>>
    %dma_start3A_7 = arith.constant 0 : i32
    %dma_start3A_8 = arith.constant 0 : i32
    %dma_start3A_9 = tpu.memref_slice %arg2[%dma_start3A_7, %dma_start3A_8] : memref<8192x64xf32, #tpu.memory_space<hbm>> -> memref<8192x64xf32, #tpu.memory_space<hbm>>
    tpu.enqueue_indirect_dma source(%dma_start3A_9 : memref<8192x64xf32, #tpu.memory_space<hbm>>) target(%dma_start3A_3 : memref<128x64xf32, #tpu.memory_space<vmem>>) offsets(%dma_start3A_6 : memref<128xi32, #tpu.memory_space<vmem>>) semaphore(%arg11 : memref<!tpu.dma_semaphore, #tpu.memory_space<semaphore_mem>>)
    %dma_wait3A = arith.constant 0 : i32
    %dma_wait3A_10 = arith.constant 0 : i32
    %dma_wait3A_11 = arith.constant 0 : i32
    %dma_wait3A_12 = tpu.memref_slice %arg8[%dma_wait3A_10, %dma_wait3A_11] : memref<256x64xf32, #tpu.memory_space<vmem>> -> memref<128x64xf32, #tpu.memory_space<vmem>>
    %dma_wait3A_13 = arith.constant 0 : i32
    %dma_wait3A_14 = tpu.memref_slice %arg7[%dma_wait3A, %dma_wait3A_13] : memref<2x128xi32, #tpu.memory_space<vmem>> -> memref<1x128xi32, #tpu.memory_space<vmem>>
    %dma_wait3A_15 = tpu.memref_squeeze %dma_wait3A_14 : memref<1x128xi32, #tpu.memory_space<vmem>> -> memref<128xi32, #tpu.memory_space<vmem>>
    %dma_wait3A_16 = arith.constant 0 : i32
    %dma_wait3A_17 = arith.constant 0 : i32
    %dma_wait3A_18 = tpu.memref_slice %arg2[%dma_wait3A_16, %dma_wait3A_17] : memref<8192x64xf32, #tpu.memory_space<hbm>> -> memref<8192x64xf32, #tpu.memory_space<hbm>>
    tpu.wait_indirect_dma semaphore(%arg11 : memref<!tpu.dma_semaphore, #tpu.memory_space<semaphore_mem>>) src(%dma_wait3A_18 : memref<8192x64xf32, #tpu.memory_space<hbm>>) dst(%dma_wait3A_12 : memref<128x64xf32, #tpu.memory_space<vmem>>)
    %dma_start3A_19 = arith.constant 1 : i32
    %dma_start3A_20 = arith.constant 128 : i32
    %dma_start3A_21 = arith.constant 0 : i32
    %dma_start3A_22 = tpu.memref_slice %arg8[%dma_start3A_20, %dma_start3A_21] : memref<256x64xf32, #tpu.memory_space<vmem>> -> memref<128x64xf32, #tpu.memory_space<vmem>>
    %dma_start3A_23 = arith.constant 0 : i32
    %dma_start3A_24 = tpu.memref_slice %arg7[%dma_start3A_19, %dma_start3A_23] : memref<2x128xi32, #tpu.memory_space<vmem>> -> memref<1x128xi32, #tpu.memory_space<vmem>>
    %dma_start3A_25 = tpu.memref_squeeze %dma_start3A_24 : memref<1x128xi32, #tpu.memory_space<vmem>> -> memref<128xi32, #tpu.memory_space<vmem>>
    %dma_start3A_26 = arith.constant 0 : i32
    %dma_start3A_27 = arith.constant 0 : i32
    %dma_start3A_28 = tpu.memref_slice %arg2[%dma_start3A_26, %dma_start3A_27] : memref<8192x64xf32, #tpu.memory_space<hbm>> -> memref<8192x64xf32, #tpu.memory_space<hbm>>
    tpu.enqueue_indirect_dma source(%dma_start3A_28 : memref<8192x64xf32, #tpu.memory_space<hbm>>) target(%dma_start3A_22 : memref<128x64xf32, #tpu.memory_space<vmem>>) offsets(%dma_start3A_25 : memref<128xi32, #tpu.memory_space<vmem>>) semaphore(%arg11 : memref<!tpu.dma_semaphore, #tpu.memory_space<semaphore_mem>>)
    %dma_wait3A_29 = arith.constant 1 : i32
    %dma_wait3A_30 = arith.constant 128 : i32
    %dma_wait3A_31 = arith.constant 0 : i32
    %dma_wait3A_32 = tpu.memref_slice %arg8[%dma_wait3A_30, %dma_wait3A_31] : memref<256x64xf32, #tpu.memory_space<vmem>> -> memref<128x64xf32, #tpu.memory_space<vmem>>
    %dma_wait3A_33 = arith.constant 0 : i32
    %dma_wait3A_34 = tpu.memref_slice %arg7[%dma_wait3A_29, %dma_wait3A_33] : memref<2x128xi32, #tpu.memory_space<vmem>> -> memref<1x128xi32, #tpu.memory_space<vmem>>
    %dma_wait3A_35 = tpu.memref_squeeze %dma_wait3A_34 : memref<1x128xi32, #tpu.memory_space<vmem>> -> memref<128xi32, #tpu.memory_space<vmem>>
    %dma_wait3A_36 = arith.constant 0 : i32
    %dma_wait3A_37 = arith.constant 0 : i32
    %dma_wait3A_38 = tpu.memref_slice %arg2[%dma_wait3A_36, %dma_wait3A_37] : memref<8192x64xf32, #tpu.memory_space<hbm>> -> memref<8192x64xf32, #tpu.memory_space<hbm>>
    tpu.wait_indirect_dma semaphore(%arg11 : memref<!tpu.dma_semaphore, #tpu.memory_space<semaphore_mem>>) src(%dma_wait3A_38 : memref<8192x64xf32, #tpu.memory_space<hbm>>) dst(%dma_wait3A_32 : memref<128x64xf32, #tpu.memory_space<vmem>>)
    "tpu.region"() ({
      %run_scoped3A = tpu.sem_alloc : memref<!tpu.dma_semaphore, #tpu.memory_space<semaphore_mem>>
      %dma_start3A_48 = arith.constant 0 : i32
      %dma_start3A_49 = arith.constant 0 : i32
      %dma_start3A_50 = tpu.memref_slice %arg4[%add3A, %dma_start3A_48, %dma_start3A_49] : memref<32x256x64xf32, #tpu.memory_space<hbm>> -> memref<1x256x64xf32, #tpu.memory_space<hbm>>
      %dma_start3A_51 = tpu.memref_squeeze %dma_start3A_50 : memref<1x256x64xf32, #tpu.memory_space<hbm>> -> memref<256x64xf32, #tpu.memory_space<hbm>>
      %dma_start3A_52 = arith.constant 0 : i32
      %dma_start3A_53 = arith.constant 0 : i32
      %dma_start3A_54 = tpu.memref_slice %arg4[%add3A, %dma_start3A_52, %dma_start3A_53] : memref<32x256x64xf32, #tpu.memory_space<hbm>> -> memref<1x256x64xf32, #tpu.memory_space<hbm>>
      %dma_start3A_55 = tpu.memref_squeeze %dma_start3A_54 : memref<1x256x64xf32, #tpu.memory_space<hbm>> -> memref<256x64xf32, #tpu.memory_space<hbm>>
      tpu.enqueue_dma source(%dma_start3A_55 : memref<256x64xf32, #tpu.memory_space<hbm>>) target(%arg9 : memref<256x64xf32, #tpu.memory_space<vmem>>) target_semaphore(%run_scoped3A : memref<!tpu.dma_semaphore, #tpu.memory_space<semaphore_mem>>)
      %dma_wait3A_56 = arith.constant 0 : i32
      %dma_wait3A_57 = arith.constant 0 : i32
      %dma_wait3A_58 = tpu.memref_slice %arg4[%add3A, %dma_wait3A_56, %dma_wait3A_57] : memref<32x256x64xf32, #tpu.memory_space<hbm>> -> memref<1x256x64xf32, #tpu.memory_space<hbm>>
      %dma_wait3A_59 = tpu.memref_squeeze %dma_wait3A_58 : memref<1x256x64xf32, #tpu.memory_space<hbm>> -> memref<256x64xf32, #tpu.memory_space<hbm>>
      %dma_wait3A_60 = arith.constant 0 : i32
      %dma_wait3A_61 = arith.constant 0 : i32
      %dma_wait3A_62 = tpu.memref_slice %arg4[%add3A, %dma_wait3A_60, %dma_wait3A_61] : memref<32x256x64xf32, #tpu.memory_space<hbm>> -> memref<1x256x64xf32, #tpu.memory_space<hbm>>
      %dma_wait3A_63 = tpu.memref_squeeze %dma_wait3A_62 : memref<1x256x64xf32, #tpu.memory_space<hbm>> -> memref<256x64xf32, #tpu.memory_space<hbm>>
      tpu.wait_dma2 semaphore(%run_scoped3A : memref<!tpu.dma_semaphore, #tpu.memory_space<semaphore_mem>>) src(%dma_wait3A_63 : memref<256x64xf32, #tpu.memory_space<hbm>>) dst(%arg9 : memref<256x64xf32, #tpu.memory_space<vmem>>)
      tpu.yield
    }) : () -> ()
    %broadcast_in_dim3A = arith.constant 0.000000e+00 : f32
    %broadcast_in_dim3A_39 = vector.broadcast %broadcast_in_dim3A : f32 to vector<16xf32>
    %scan3A = arith.constant 0 : i32
    %scan3A_40 = arith.constant 256 : i32
    %scan3A_41 = arith.addi %scan3A, %scan3A_40 : i32
    %scan3A_42 = arith.constant 1 : i32
    %scan3A_43 = scf.for %scan3A_48 = %scan3A to %scan3A_41 step %scan3A_42 iter_args(%scan3A_49 = %broadcast_in_dim3A_39) -> (vector<16xf32>)  : i32 {
      %get3A = arith.index_cast %scan3A_48 : i32 to index
      %get3A_50 = arith.constant 0 : index
      %get3A_51 = tpu.vector_load %arg9[%get3A, %get3A_50] {strides = array<i32>} : memref<256x64xf32, #tpu.memory_space<vmem>>, vector<1x16xf32>,
      %get3A_52 = vector.shape_cast %get3A_51 : vector<1x16xf32> to vector<16xf32>
      %get3A_53 = arith.index_cast %scan3A_48 : i32 to index
      %get3A_54 = arith.constant 0 : index
      %get3A_55 = tpu.vector_load %arg8[%get3A_53, %get3A_54] {strides = array<i32>} : memref<256x64xf32, #tpu.memory_space<vmem>>, vector<1x16xf32>,
      %get3A_56 = vector.shape_cast %get3A_55 : vector<1x16xf32> to vector<16xf32>
      %sub3A = arith.subf %get3A_52, %get3A_56 : vector<16xf32>
      %sub3A_57 = arith.subf %get3A_52, %sub3A : vector<16xf32>
      %swap3A_58 = arith.index_cast %scan3A_48 : i32 to index
      %swap3A_59 = arith.constant 0 : index
      %swap3A_60 = tpu.vector_load %arg8[%swap3A_58, %swap3A_59] {strides = array<i32>} : memref<256x64xf32, #tpu.memory_space<vmem>>, vector<1x16xf32>,
      %swap3A_61 = vector.shape_cast %swap3A_60 : vector<1x16xf32> to vector<16xf32>
      %swap3A_62 = vector.shape_cast %sub3A_57 : vector<16xf32> to vector<1x16xf32>
      tpu.vector_store %arg8[%swap3A_58, %swap3A_59], %swap3A_62 {strides = array<i32>} : memref<256x64xf32, #tpu.memory_space<vmem>>, vector<1x16xf32>,
      %mul3A_63 = arith.mulf %sub3A, %sub3A : vector<16xf32>
      %add3A_64 = arith.addf %scan3A_49, %mul3A_63 : vector<16xf32>
      %get3A_65 = arith.index_cast %scan3A_48 : i32 to index
      %get3A_66 = arith.constant 16 : index
      %get3A_67 = tpu.vector_load %arg9[%get3A_65, %get3A_66] {strides = array<i32>} : memref<256x64xf32, #tpu.memory_space<vmem>>, vector<1x16xf32>,
      %get3A_68 = vector.shape_cast %get3A_67 : vector<1x16xf32> to vector<16xf32>
      %get3A_69 = arith.index_cast %scan3A_48 : i32 to index
      %get3A_70 = arith.constant 16 : index
      %get3A_71 = tpu.vector_load %arg8[%get3A_69, %get3A_70] {strides = array<i32>} : memref<256x64xf32, #tpu.memory_space<vmem>>, vector<1x16xf32>,
      %get3A_72 = vector.shape_cast %get3A_71 : vector<1x16xf32> to vector<16xf32>
      %sub3A_73 = arith.subf %get3A_68, %get3A_72 : vector<16xf32>
      %sub3A_74 = arith.subf %get3A_68, %sub3A_73 : vector<16xf32>
      %swap3A_75 = arith.index_cast %scan3A_48 : i32 to index
      %swap3A_76 = arith.constant 16 : index
      %swap3A_77 = tpu.vector_load %arg8[%swap3A_75, %swap3A_76] {strides = array<i32>} : memref<256x64xf32, #tpu.memory_space<vmem>>, vector<1x16xf32>,
      %swap3A_78 = vector.shape_cast %swap3A_77 : vector<1x16xf32> to vector<16xf32>
      %swap3A_79 = vector.shape_cast %sub3A_74 : vector<16xf32> to vector<1x16xf32>
      tpu.vector_store %arg8[%swap3A_75, %swap3A_76], %swap3A_79 {strides = array<i32>} : memref<256x64xf32, #tpu.memory_space<vmem>>, vector<1x16xf32>,
      %mul3A_80 = arith.mulf %sub3A_73, %sub3A_73 : vector<16xf32>
      %add3A_81 = arith.addf %add3A_64, %mul3A_80 : vector<16xf32>
      %get3A_82 = arith.index_cast %scan3A_48 : i32 to index
      %get3A_83 = arith.constant 32 : index
      %get3A_84 = tpu.vector_load %arg9[%get3A_82, %get3A_83] {strides = array<i32>} : memref<256x64xf32, #tpu.memory_space<vmem>>, vector<1x16xf32>,
      %get3A_85 = vector.shape_cast %get3A_84 : vector<1x16xf32> to vector<16xf32>
      %get3A_86 = arith.index_cast %scan3A_48 : i32 to index
      %get3A_87 = arith.constant 32 : index
      %get3A_88 = tpu.vector_load %arg8[%get3A_86, %get3A_87] {strides = array<i32>} : memref<256x64xf32, #tpu.memory_space<vmem>>, vector<1x16xf32>,
      %get3A_89 = vector.shape_cast %get3A_88 : vector<1x16xf32> to vector<16xf32>
      %sub3A_90 = arith.subf %get3A_85, %get3A_89 : vector<16xf32>
      %sub3A_91 = arith.subf %get3A_85, %sub3A_90 : vector<16xf32>
      %swap3A_92 = arith.index_cast %scan3A_48 : i32 to index
      %swap3A_93 = arith.constant 32 : index
      %swap3A_94 = tpu.vector_load %arg8[%swap3A_92, %swap3A_93] {strides = array<i32>} : memref<256x64xf32, #tpu.memory_space<vmem>>, vector<1x16xf32>,
      %swap3A_95 = vector.shape_cast %swap3A_94 : vector<1x16xf32> to vector<16xf32>
      %swap3A_96 = vector.shape_cast %sub3A_91 : vector<16xf32> to vector<1x16xf32>
      tpu.vector_store %arg8[%swap3A_92, %swap3A_93], %swap3A_96 {strides = array<i32>} : memref<256x64xf32, #tpu.memory_space<vmem>>, vector<1x16xf32>,
      %mul3A_97 = arith.mulf %sub3A_90, %sub3A_90 : vector<16xf32>
      %add3A_98 = arith.addf %add3A_81, %mul3A_97 : vector<16xf32>
      %get3A_99 = arith.index_cast %scan3A_48 : i32 to index
      %get3A_100 = arith.constant 48 : index
      %get3A_101 = tpu.vector_load %arg9[%get3A_99, %get3A_100] {strides = array<i32>} : memref<256x64xf32, #tpu.memory_space<vmem>>, vector<1x16xf32>,
      %get3A_102 = vector.shape_cast %get3A_101 : vector<1x16xf32> to vector<16xf32>
      %get3A_103 = arith.index_cast %scan3A_48 : i32 to index
      %get3A_104 = arith.constant 48 : index
      %get3A_105 = tpu.vector_load %arg8[%get3A_103, %get3A_104] {strides = array<i32>} : memref<256x64xf32, #tpu.memory_space<vmem>>, vector<1x16xf32>,
      %get3A_106 = vector.shape_cast %get3A_105 : vector<1x16xf32> to vector<16xf32>
      %sub3A_107 = arith.subf %get3A_102, %get3A_106 : vector<16xf32>
      %sub3A_108 = arith.subf %get3A_102, %sub3A_107 : vector<16xf32>
      %swap3A_109 = arith.index_cast %scan3A_48 : i32 to index
      %swap3A_110 = arith.constant 48 : index
      %swap3A_111 = tpu.vector_load %arg8[%swap3A_109, %swap3A_110] {strides = array<i32>} : memref<256x64xf32, #tpu.memory_space<vmem>>, vector<1x16xf32>,
      %swap3A_112 = vector.shape_cast %swap3A_111 : vector<1x16xf32> to vector<16xf32>
      %swap3A_113 = vector.shape_cast %sub3A_108 : vector<16xf32> to vector<1x16xf32>
      tpu.vector_store %arg8[%swap3A_109, %swap3A_110], %swap3A_113 {strides = array<i32>} : memref<256x64xf32, #tpu.memory_space<vmem>>, vector<1x16xf32>,
      %mul3A_114 = arith.mulf %sub3A_107, %sub3A_107 : vector<16xf32>
      %add3A_115 = arith.addf %add3A_98, %mul3A_114 : vector<16xf32>
      scf.yield %add3A_115 : vector<16xf32>
    }
    %scan3A_44 = arith.constant 256 : i32
    %swap3A = arith.constant 0 : index
    %swap3A_45 = tpu.vector_load %arg10[%swap3A] {strides = array<i32>} : memref<16xf32, #tpu.memory_space<vmem>>, vector<16xf32>,
    %swap3A_46 = vector.shape_cast %swap3A_45 : vector<16xf32> to vector<16xf32>
    %swap3A_47 = vector.shape_cast %scan3A_43 : vector<16xf32> to vector<16xf32>
    tpu.vector_store %arg10[%swap3A], %swap3A_47 {strides = array<i32>} : memref<16xf32, #tpu.memory_space<vmem>>, vector<16xf32>,
    "tpu.region"() ({
      %run_scoped3A = tpu.sem_alloc : memref<!tpu.dma_semaphore, #tpu.memory_space<semaphore_mem>>
      %dma_start3A_48 = arith.constant 0 : i32
      %dma_start3A_49 = arith.constant 0 : i32
      %dma_start3A_50 = tpu.memref_slice %arg5[%add3A, %dma_start3A_48, %dma_start3A_49] : memref<32x256x64xf32, #tpu.memory_space<hbm>> -> memref<1x256x64xf32, #tpu.memory_space<hbm>>
      %dma_start3A_51 = tpu.memref_squeeze %dma_start3A_50 : memref<1x256x64xf32, #tpu.memory_space<hbm>> -> memref<256x64xf32, #tpu.memory_space<hbm>>
      %dma_start3A_52 = arith.constant 0 : i32
      %dma_start3A_53 = arith.constant 0 : i32
      %dma_start3A_54 = tpu.memref_slice %arg5[%add3A, %dma_start3A_52, %dma_start3A_53] : memref<32x256x64xf32, #tpu.memory_space<hbm>> -> memref<1x256x64xf32, #tpu.memory_space<hbm>>
      %dma_start3A_55 = tpu.memref_squeeze %dma_start3A_54 : memref<1x256x64xf32, #tpu.memory_space<hbm>> -> memref<256x64xf32, #tpu.memory_space<hbm>>
      tpu.enqueue_dma source(%arg8 : memref<256x64xf32, #tpu.memory_space<vmem>>) target(%dma_start3A_55 : memref<256x64xf32, #tpu.memory_space<hbm>>) target_semaphore(%run_scoped3A : memref<!tpu.dma_semaphore, #tpu.memory_space<semaphore_mem>>)
      %dma_wait3A_56 = arith.constant 0 : i32
      %dma_wait3A_57 = arith.constant 0 : i32
      %dma_wait3A_58 = tpu.memref_slice %arg5[%add3A, %dma_wait3A_56, %dma_wait3A_57] : memref<32x256x64xf32, #tpu.memory_space<hbm>> -> memref<1x256x64xf32, #tpu.memory_space<hbm>>
      %dma_wait3A_59 = tpu.memref_squeeze %dma_wait3A_58 : memref<1x256x64xf32, #tpu.memory_space<hbm>> -> memref<256x64xf32, #tpu.memory_space<hbm>>
      %dma_wait3A_60 = arith.constant 0 : i32
      %dma_wait3A_61 = arith.constant 0 : i32
      %dma_wait3A_62 = tpu.memref_slice %arg5[%add3A, %dma_wait3A_60, %dma_wait3A_61] : memref<32x256x64xf32, #tpu.memory_space<hbm>> -> memref<1x256x64xf32, #tpu.memory_space<hbm>>
      %dma_wait3A_63 = tpu.memref_squeeze %dma_wait3A_62 : memref<1x256x64xf32, #tpu.memory_space<hbm>> -> memref<256x64xf32, #tpu.memory_space<hbm>>
      tpu.wait_dma2 semaphore(%run_scoped3A : memref<!tpu.dma_semaphore, #tpu.memory_space<semaphore_mem>>) src(%arg8 : memref<256x64xf32, #tpu.memory_space<vmem>>) dst(%dma_wait3A_63 : memref<256x64xf32, #tpu.memory_space<hbm>>)
      tpu.yield
    }) : () -> ()
    "tpu.region"() ({
      %run_scoped3A = tpu.sem_alloc : memref<!tpu.dma_semaphore, #tpu.memory_space<semaphore_mem>>
      %dma_start3A_48 = arith.constant 0 : i32
      %dma_start3A_49 = tpu.memref_slice %arg6[%add3A, %dma_start3A_48] : memref<32x16xf32, #tpu.memory_space<hbm>> -> memref<1x16xf32, #tpu.memory_space<hbm>>
      %dma_start3A_50 = tpu.memref_squeeze %dma_start3A_49 : memref<1x16xf32, #tpu.memory_space<hbm>> -> memref<16xf32, #tpu.memory_space<hbm>>
      %dma_start3A_51 = arith.constant 0 : i32
      %dma_start3A_52 = tpu.memref_slice %arg6[%add3A, %dma_start3A_51] : memref<32x16xf32, #tpu.memory_space<hbm>> -> memref<1x16xf32, #tpu.memory_space<hbm>>
      %dma_start3A_53 = tpu.memref_squeeze %dma_start3A_52 : memref<1x16xf32, #tpu.memory_space<hbm>> -> memref<16xf32, #tpu.memory_space<hbm>>
      tpu.enqueue_dma source(%arg10 : memref<16xf32, #tpu.memory_space<vmem>>) target(%dma_start3A_53 : memref<16xf32, #tpu.memory_space<hbm>>) target_semaphore(%run_scoped3A : memref<!tpu.dma_semaphore, #tpu.memory_space<semaphore_mem>>)
      %dma_wait3A_54 = arith.constant 0 : i32
      %dma_wait3A_55 = tpu.memref_slice %arg6[%add3A, %dma_wait3A_54] : memref<32x16xf32, #tpu.memory_space<hbm>> -> memref<1x16xf32, #tpu.memory_space<hbm>>
      %dma_wait3A_56 = tpu.memref_squeeze %dma_wait3A_55 : memref<1x16xf32, #tpu.memory_space<hbm>> -> memref<16xf32, #tpu.memory_space<hbm>>
      %dma_wait3A_57 = arith.constant 0 : i32
      %dma_wait3A_58 = tpu.memref_slice %arg6[%add3A, %dma_wait3A_57] : memref<32x16xf32, #tpu.memory_space<hbm>> -> memref<1x16xf32, #tpu.memory_space<hbm>>
      %dma_wait3A_59 = tpu.memref_squeeze %dma_wait3A_58 : memref<1x16xf32, #tpu.memory_space<hbm>> -> memref<16xf32, #tpu.memory_space<hbm>>
      tpu.wait_dma2 semaphore(%run_scoped3A : memref<!tpu.dma_semaphore, #tpu.memory_space<semaphore_mem>>) src(%arg10 : memref<16xf32, #tpu.memory_space<vmem>>) dst(%dma_wait3A_59 : memref<16xf32, #tpu.memory_space<hbm>>)
      tpu.yield
    }) : () -> ()
    return
  }
}

module attributes {stable_mosaic.version = 14 : i64} {
  func.func @_argmin_body(%arg0: memref<8192x64xf32, #tpu.memory_space<vmem>>, %arg1: memref<8192x64xf32, #tpu.memory_space<vmem>>, %arg2: memref<8192x1xi32, #tpu.memory_space<vmem>>, %arg3: memref<8192x64xf32, #tpu.memory_space<vmem>>) attributes {dimension_semantics = [], scalar_prefetch = 0 : i64, scratch_operands = 1 : i64, tpu.core_type = #tpu.core_type<tc>} {
    %get3A = arith.constant 0 : index
    %get3A_0 = arith.constant 0 : index
    %get3A_1 = vector.load %arg1[%get3A, %get3A_0] : memref<8192x64xf32, #tpu.memory_space<vmem>>, vector<8192x64xf32>
    %mul3A = arith.constant -2.000000e+00 : f32
    %mul3A_2 = vector.broadcast %mul3A : f32 to vector<8192x64xf32>
    %mul3A_3 = arith.mulf %get3A_1, %mul3A_2 : vector<8192x64xf32>
    %swap3A = arith.constant 0 : index
    %swap3A_4 = arith.constant 0 : index
    %swap3A_5 = vector.load %arg3[%swap3A, %swap3A_4] : memref<8192x64xf32, #tpu.memory_space<vmem>>, vector<8192x64xf32>
    tpu.vector_store %arg3[%swap3A, %swap3A_4], %mul3A_3 {strides = array<i32>} : memref<8192x64xf32, #tpu.memory_space<vmem>>, vector<8192x64xf32>,
    %iota3A = tpu.iota {dimensions = array<i32: 1>} : vector<256x128xi32>
    %convert_element_type3A = arith.sitofp %iota3A : vector<256x128xi32> to vector<256x128xf32>
    %scan3A = arith.constant 0 : i32
    %scan3A_6 = arith.constant 32 : i32
    %scan3A_7 = arith.addi %scan3A, %scan3A_6 : i32
    %scan3A_8 = arith.constant 1 : i32
    scf.for %scan3A_10 = %scan3A to %scan3A_7 step %scan3A_8  : i32 {
      %mul3A_11 = arith.constant 256 : i32
      %mul3A_12 = arith.muli %scan3A_10, %mul3A_11 : i32
      %multiple_of3A = tpu.assume_multiple %mul3A_12, 256 : i32
      %get3A_13 = arith.index_cast %multiple_of3A : i32 to index
      %get3A_14 = arith.constant 0 : index
      %get3A_15 = vector.load %arg0[%get3A_13, %get3A_14] : memref<8192x64xf32, #tpu.memory_space<vmem>>, vector<256x64xf32>
      %mul3A_16 = arith.mulf %get3A_15, %get3A_15 : vector<256x64xf32>
      %reduce_sum3A = arith.constant dense<0.000000e+00> : vector<256xf32>
      %reduce_sum3A_17 = vector.multi_reduction <add>, %mul3A_16, %reduce_sum3A [1] : vector<256x64xf32> to vector<256xf32>
      %broadcast_in_dim3A = vector.shape_cast %reduce_sum3A_17 : vector<256xf32> to vector<256x1xf32>
      %broadcast_in_dim3A_18 = arith.constant 0x7F800000 : f32
      %broadcast_in_dim3A_19 = vector.broadcast %broadcast_in_dim3A_18 : f32 to vector<256x1xf32>
      %broadcast_in_dim3A_20 = arith.constant 0.000000e+00 : f32
      %broadcast_in_dim3A_21 = vector.broadcast %broadcast_in_dim3A_20 : f32 to vector<256x1xf32>
      %get3A_22 = arith.constant 0 : index
      %get3A_23 = arith.constant 0 : index
      %get3A_24 = vector.load %arg3[%get3A_22, %get3A_23] : memref<8192x64xf32, #tpu.memory_space<vmem>>, vector<4096x64xf32>
      %dot_general3A = arith.constant dense<0.000000e+00> : vector<256x4096xf32>
      %dot_general3A_25 = tpu.matmul %get3A_15, %get3A_24, %dot_general3A {dimension_numbers = #tpu.dot_dimension_numbers<[1], [1], [0], [0], [0, 0, 1, 0], [], []>, transpose_lhs_hint = false} : vector<256x64xf32>, vector<4096x64xf32>, vector<256x4096xf32> -> vector<256x4096xf32>
      %broadcast_in_dim3A_26 = arith.constant 0x7F800000 : f32
      %broadcast_in_dim3A_27 = vector.broadcast %broadcast_in_dim3A_26 : f32 to vector<256x128xf32>
      %broadcast_in_dim3A_28 = arith.constant 0.000000e+00 : f32
      %broadcast_in_dim3A_29 = vector.broadcast %broadcast_in_dim3A_28 : f32 to vector<256x128xf32>
      %slice3A = vector.extract_strided_slice %dot_general3A_25 {offsets = [0, 0], sizes = [256, 128], strides = [1, 1]} : vector<256x4096xf32> to vector<256x128xf32>
      %add3A = vector.broadcast %broadcast_in_dim3A : vector<256x1xf32> to vector<256x128xf32>
      %add3A_30 = arith.addf %add3A, %slice3A : vector<256x128xf32>
      %lt3A = arith.cmpf olt, %add3A_30, %broadcast_in_dim3A_27 : vector<256x128xf32>
      %select_n3A = arith.select %lt3A, %add3A_30, %broadcast_in_dim3A_27 : vector<256x128xi1>, vector<256x128xf32>
      %jit3A = arith.constant 0.000000e+00 : f32
      %broadcast_in_dim3A_31 = vector.broadcast %jit3A : f32 to vector<256x128xf32>
      %select_n3A_32 = arith.select %lt3A, %broadcast_in_dim3A_31, %broadcast_in_dim3A_29 : vector<256x128xi1>, vector<256x128xf32>
      %slice3A_33 = vector.extract_strided_slice %dot_general3A_25 {offsets = [0, 128], sizes = [256, 128], strides = [1, 1]} : vector<256x4096xf32> to vector<256x128xf32>
      %add3A_34 = vector.broadcast %broadcast_in_dim3A : vector<256x1xf32> to vector<256x128xf32>
      %add3A_35 = arith.addf %add3A_34, %slice3A_33 : vector<256x128xf32>
      %lt3A_36 = arith.cmpf olt, %add3A_35, %select_n3A : vector<256x128xf32>
      %select_n3A_37 = arith.select %lt3A_36, %add3A_35, %select_n3A : vector<256x128xi1>, vector<256x128xf32>
      %jit3A_38 = arith.constant 1.000000e+00 : f32
      %broadcast_in_dim3A_39 = vector.broadcast %jit3A_38 : f32 to vector<256x128xf32>
      %select_n3A_40 = arith.select %lt3A_36, %broadcast_in_dim3A_39, %select_n3A_32 : vector<256x128xi1>, vector<256x128xf32>
      %slice3A_41 = vector.extract_strided_slice %dot_general3A_25 {offsets = [0, 256], sizes = [256, 128], strides = [1, 1]} : vector<256x4096xf32> to vector<256x128xf32>
      %add3A_42 = vector.broadcast %broadcast_in_dim3A : vector<256x1xf32> to vector<256x128xf32>
      %add3A_43 = arith.addf %add3A_42, %slice3A_41 : vector<256x128xf32>
      %lt3A_44 = arith.cmpf olt, %add3A_43, %select_n3A_37 : vector<256x128xf32>
      %select_n3A_45 = arith.select %lt3A_44, %add3A_43, %select_n3A_37 : vector<256x128xi1>, vector<256x128xf32>
      %jit3A_46 = arith.constant 2.000000e+00 : f32
      %broadcast_in_dim3A_47 = vector.broadcast %jit3A_46 : f32 to vector<256x128xf32>
      %select_n3A_48 = arith.select %lt3A_44, %broadcast_in_dim3A_47, %select_n3A_40 : vector<256x128xi1>, vector<256x128xf32>
      %slice3A_49 = vector.extract_strided_slice %dot_general3A_25 {offsets = [0, 384], sizes = [256, 128], strides = [1, 1]} : vector<256x4096xf32> to vector<256x128xf32>
      %add3A_50 = vector.broadcast %broadcast_in_dim3A : vector<256x1xf32> to vector<256x128xf32>
      %add3A_51 = arith.addf %add3A_50, %slice3A_49 : vector<256x128xf32>
      %lt3A_52 = arith.cmpf olt, %add3A_51, %select_n3A_45 : vector<256x128xf32>
      %select_n3A_53 = arith.select %lt3A_52, %add3A_51, %select_n3A_45 : vector<256x128xi1>, vector<256x128xf32>
      %jit3A_54 = arith.constant 3.000000e+00 : f32
      %broadcast_in_dim3A_55 = vector.broadcast %jit3A_54 : f32 to vector<256x128xf32>
      %select_n3A_56 = arith.select %lt3A_52, %broadcast_in_dim3A_55, %select_n3A_48 : vector<256x128xi1>, vector<256x128xf32>
      %slice3A_57 = vector.extract_strided_slice %dot_general3A_25 {offsets = [0, 512], sizes = [256, 128], strides = [1, 1]} : vector<256x4096xf32> to vector<256x128xf32>
      %add3A_58 = vector.broadcast %broadcast_in_dim3A : vector<256x1xf32> to vector<256x128xf32>
      %add3A_59 = arith.addf %add3A_58, %slice3A_57 : vector<256x128xf32>
      %lt3A_60 = arith.cmpf olt, %add3A_59, %select_n3A_53 : vector<256x128xf32>
      %select_n3A_61 = arith.select %lt3A_60, %add3A_59, %select_n3A_53 : vector<256x128xi1>, vector<256x128xf32>
      %jit3A_62 = arith.constant 4.000000e+00 : f32
      %broadcast_in_dim3A_63 = vector.broadcast %jit3A_62 : f32 to vector<256x128xf32>
      %select_n3A_64 = arith.select %lt3A_60, %broadcast_in_dim3A_63, %select_n3A_56 : vector<256x128xi1>, vector<256x128xf32>
      %slice3A_65 = vector.extract_strided_slice %dot_general3A_25 {offsets = [0, 640], sizes = [256, 128], strides = [1, 1]} : vector<256x4096xf32> to vector<256x128xf32>
      %add3A_66 = vector.broadcast %broadcast_in_dim3A : vector<256x1xf32> to vector<256x128xf32>
      %add3A_67 = arith.addf %add3A_66, %slice3A_65 : vector<256x128xf32>
      %lt3A_68 = arith.cmpf olt, %add3A_67, %select_n3A_61 : vector<256x128xf32>
      %select_n3A_69 = arith.select %lt3A_68, %add3A_67, %select_n3A_61 : vector<256x128xi1>, vector<256x128xf32>
      %jit3A_70 = arith.constant 5.000000e+00 : f32
      %broadcast_in_dim3A_71 = vector.broadcast %jit3A_70 : f32 to vector<256x128xf32>
      %select_n3A_72 = arith.select %lt3A_68, %broadcast_in_dim3A_71, %select_n3A_64 : vector<256x128xi1>, vector<256x128xf32>
      %slice3A_73 = vector.extract_strided_slice %dot_general3A_25 {offsets = [0, 768], sizes = [256, 128], strides = [1, 1]} : vector<256x4096xf32> to vector<256x128xf32>
      %add3A_74 = vector.broadcast %broadcast_in_dim3A : vector<256x1xf32> to vector<256x128xf32>
      %add3A_75 = arith.addf %add3A_74, %slice3A_73 : vector<256x128xf32>
      %lt3A_76 = arith.cmpf olt, %add3A_75, %select_n3A_69 : vector<256x128xf32>
      %select_n3A_77 = arith.select %lt3A_76, %add3A_75, %select_n3A_69 : vector<256x128xi1>, vector<256x128xf32>
      %jit3A_78 = arith.constant 6.000000e+00 : f32
      %broadcast_in_dim3A_79 = vector.broadcast %jit3A_78 : f32 to vector<256x128xf32>
      %select_n3A_80 = arith.select %lt3A_76, %broadcast_in_dim3A_79, %select_n3A_72 : vector<256x128xi1>, vector<256x128xf32>
      %slice3A_81 = vector.extract_strided_slice %dot_general3A_25 {offsets = [0, 896], sizes = [256, 128], strides = [1, 1]} : vector<256x4096xf32> to vector<256x128xf32>
      %add3A_82 = vector.broadcast %broadcast_in_dim3A : vector<256x1xf32> to vector<256x128xf32>
      %add3A_83 = arith.addf %add3A_82, %slice3A_81 : vector<256x128xf32>
      %lt3A_84 = arith.cmpf olt, %add3A_83, %select_n3A_77 : vector<256x128xf32>
      %select_n3A_85 = arith.select %lt3A_84, %add3A_83, %select_n3A_77 : vector<256x128xi1>, vector<256x128xf32>
      %jit3A_86 = arith.constant 7.000000e+00 : f32
      %broadcast_in_dim3A_87 = vector.broadcast %jit3A_86 : f32 to vector<256x128xf32>
      %select_n3A_88 = arith.select %lt3A_84, %broadcast_in_dim3A_87, %select_n3A_80 : vector<256x128xi1>, vector<256x128xf32>
      %slice3A_89 = vector.extract_strided_slice %dot_general3A_25 {offsets = [0, 1024], sizes = [256, 128], strides = [1, 1]} : vector<256x4096xf32> to vector<256x128xf32>
      %add3A_90 = vector.broadcast %broadcast_in_dim3A : vector<256x1xf32> to vector<256x128xf32>
      %add3A_91 = arith.addf %add3A_90, %slice3A_89 : vector<256x128xf32>
      %lt3A_92 = arith.cmpf olt, %add3A_91, %select_n3A_85 : vector<256x128xf32>
      %select_n3A_93 = arith.select %lt3A_92, %add3A_91, %select_n3A_85 : vector<256x128xi1>, vector<256x128xf32>
      %jit3A_94 = arith.constant 8.000000e+00 : f32
      %broadcast_in_dim3A_95 = vector.broadcast %jit3A_94 : f32 to vector<256x128xf32>
      %select_n3A_96 = arith.select %lt3A_92, %broadcast_in_dim3A_95, %select_n3A_88 : vector<256x128xi1>, vector<256x128xf32>
      %slice3A_97 = vector.extract_strided_slice %dot_general3A_25 {offsets = [0, 1152], sizes = [256, 128], strides = [1, 1]} : vector<256x4096xf32> to vector<256x128xf32>
      %add3A_98 = vector.broadcast %broadcast_in_dim3A : vector<256x1xf32> to vector<256x128xf32>
      %add3A_99 = arith.addf %add3A_98, %slice3A_97 : vector<256x128xf32>
      %lt3A_100 = arith.cmpf olt, %add3A_99, %select_n3A_93 : vector<256x128xf32>
      %select_n3A_101 = arith.select %lt3A_100, %add3A_99, %select_n3A_93 : vector<256x128xi1>, vector<256x128xf32>
      %jit3A_102 = arith.constant 9.000000e+00 : f32
      %broadcast_in_dim3A_103 = vector.broadcast %jit3A_102 : f32 to vector<256x128xf32>
      %select_n3A_104 = arith.select %lt3A_100, %broadcast_in_dim3A_103, %select_n3A_96 : vector<256x128xi1>, vector<256x128xf32>
      %slice3A_105 = vector.extract_strided_slice %dot_general3A_25 {offsets = [0, 1280], sizes = [256, 128], strides = [1, 1]} : vector<256x4096xf32> to vector<256x128xf32>
      %add3A_106 = vector.broadcast %broadcast_in_dim3A : vector<256x1xf32> to vector<256x128xf32>
      %add3A_107 = arith.addf %add3A_106, %slice3A_105 : vector<256x128xf32>
      %lt3A_108 = arith.cmpf olt, %add3A_107, %select_n3A_101 : vector<256x128xf32>
      %select_n3A_109 = arith.select %lt3A_108, %add3A_107, %select_n3A_101 : vector<256x128xi1>, vector<256x128xf32>
      %jit3A_110 = arith.constant 1.000000e+01 : f32
      %broadcast_in_dim3A_111 = vector.broadcast %jit3A_110 : f32 to vector<256x128xf32>
      %select_n3A_112 = arith.select %lt3A_108, %broadcast_in_dim3A_111, %select_n3A_104 : vector<256x128xi1>, vector<256x128xf32>
      %slice3A_113 = vector.extract_strided_slice %dot_general3A_25 {offsets = [0, 1408], sizes = [256, 128], strides = [1, 1]} : vector<256x4096xf32> to vector<256x128xf32>
      %add3A_114 = vector.broadcast %broadcast_in_dim3A : vector<256x1xf32> to vector<256x128xf32>
      %add3A_115 = arith.addf %add3A_114, %slice3A_113 : vector<256x128xf32>
      %lt3A_116 = arith.cmpf olt, %add3A_115, %select_n3A_109 : vector<256x128xf32>
      %select_n3A_117 = arith.select %lt3A_116, %add3A_115, %select_n3A_109 : vector<256x128xi1>, vector<256x128xf32>
      %jit3A_118 = arith.constant 1.100000e+01 : f32
      %broadcast_in_dim3A_119 = vector.broadcast %jit3A_118 : f32 to vector<256x128xf32>
      %select_n3A_120 = arith.select %lt3A_116, %broadcast_in_dim3A_119, %select_n3A_112 : vector<256x128xi1>, vector<256x128xf32>
      %slice3A_121 = vector.extract_strided_slice %dot_general3A_25 {offsets = [0, 1536], sizes = [256, 128], strides = [1, 1]} : vector<256x4096xf32> to vector<256x128xf32>
      %add3A_122 = vector.broadcast %broadcast_in_dim3A : vector<256x1xf32> to vector<256x128xf32>
      %add3A_123 = arith.addf %add3A_122, %slice3A_121 : vector<256x128xf32>
      %lt3A_124 = arith.cmpf olt, %add3A_123, %select_n3A_117 : vector<256x128xf32>
      %select_n3A_125 = arith.select %lt3A_124, %add3A_123, %select_n3A_117 : vector<256x128xi1>, vector<256x128xf32>
      %jit3A_126 = arith.constant 1.200000e+01 : f32
      %broadcast_in_dim3A_127 = vector.broadcast %jit3A_126 : f32 to vector<256x128xf32>
      %select_n3A_128 = arith.select %lt3A_124, %broadcast_in_dim3A_127, %select_n3A_120 : vector<256x128xi1>, vector<256x128xf32>
      %slice3A_129 = vector.extract_strided_slice %dot_general3A_25 {offsets = [0, 1664], sizes = [256, 128], strides = [1, 1]} : vector<256x4096xf32> to vector<256x128xf32>
      %add3A_130 = vector.broadcast %broadcast_in_dim3A : vector<256x1xf32> to vector<256x128xf32>
      %add3A_131 = arith.addf %add3A_130, %slice3A_129 : vector<256x128xf32>
      %lt3A_132 = arith.cmpf olt, %add3A_131, %select_n3A_125 : vector<256x128xf32>
      %select_n3A_133 = arith.select %lt3A_132, %add3A_131, %select_n3A_125 : vector<256x128xi1>, vector<256x128xf32>
      %jit3A_134 = arith.constant 1.300000e+01 : f32
      %broadcast_in_dim3A_135 = vector.broadcast %jit3A_134 : f32 to vector<256x128xf32>
      %select_n3A_136 = arith.select %lt3A_132, %broadcast_in_dim3A_135, %select_n3A_128 : vector<256x128xi1>, vector<256x128xf32>
      %slice3A_137 = vector.extract_strided_slice %dot_general3A_25 {offsets = [0, 1792], sizes = [256, 128], strides = [1, 1]} : vector<256x4096xf32> to vector<256x128xf32>
      %add3A_138 = vector.broadcast %broadcast_in_dim3A : vector<256x1xf32> to vector<256x128xf32>
      %add3A_139 = arith.addf %add3A_138, %slice3A_137 : vector<256x128xf32>
      %lt3A_140 = arith.cmpf olt, %add3A_139, %select_n3A_133 : vector<256x128xf32>
      %select_n3A_141 = arith.select %lt3A_140, %add3A_139, %select_n3A_133 : vector<256x128xi1>, vector<256x128xf32>
      %jit3A_142 = arith.constant 1.400000e+01 : f32
      %broadcast_in_dim3A_143 = vector.broadcast %jit3A_142 : f32 to vector<256x128xf32>
      %select_n3A_144 = arith.select %lt3A_140, %broadcast_in_dim3A_143, %select_n3A_136 : vector<256x128xi1>, vector<256x128xf32>
      %slice3A_145 = vector.extract_strided_slice %dot_general3A_25 {offsets = [0, 1920], sizes = [256, 128], strides = [1, 1]} : vector<256x4096xf32> to vector<256x128xf32>
      %add3A_146 = vector.broadcast %broadcast_in_dim3A : vector<256x1xf32> to vector<256x128xf32>
      %add3A_147 = arith.addf %add3A_146, %slice3A_145 : vector<256x128xf32>
      %lt3A_148 = arith.cmpf olt, %add3A_147, %select_n3A_141 : vector<256x128xf32>
      %select_n3A_149 = arith.select %lt3A_148, %add3A_147, %select_n3A_141 : vector<256x128xi1>, vector<256x128xf32>
      %jit3A_150 = arith.constant 1.500000e+01 : f32
      %broadcast_in_dim3A_151 = vector.broadcast %jit3A_150 : f32 to vector<256x128xf32>
      %select_n3A_152 = arith.select %lt3A_148, %broadcast_in_dim3A_151, %select_n3A_144 : vector<256x128xi1>, vector<256x128xf32>
      %slice3A_153 = vector.extract_strided_slice %dot_general3A_25 {offsets = [0, 2048], sizes = [256, 128], strides = [1, 1]} : vector<256x4096xf32> to vector<256x128xf32>
      %add3A_154 = vector.broadcast %broadcast_in_dim3A : vector<256x1xf32> to vector<256x128xf32>
      %add3A_155 = arith.addf %add3A_154, %slice3A_153 : vector<256x128xf32>
      %lt3A_156 = arith.cmpf olt, %add3A_155, %select_n3A_149 : vector<256x128xf32>
      %select_n3A_157 = arith.select %lt3A_156, %add3A_155, %select_n3A_149 : vector<256x128xi1>, vector<256x128xf32>
      %jit3A_158 = arith.constant 1.600000e+01 : f32
      %broadcast_in_dim3A_159 = vector.broadcast %jit3A_158 : f32 to vector<256x128xf32>
      %select_n3A_160 = arith.select %lt3A_156, %broadcast_in_dim3A_159, %select_n3A_152 : vector<256x128xi1>, vector<256x128xf32>
      %slice3A_161 = vector.extract_strided_slice %dot_general3A_25 {offsets = [0, 2176], sizes = [256, 128], strides = [1, 1]} : vector<256x4096xf32> to vector<256x128xf32>
      %add3A_162 = vector.broadcast %broadcast_in_dim3A : vector<256x1xf32> to vector<256x128xf32>
      %add3A_163 = arith.addf %add3A_162, %slice3A_161 : vector<256x128xf32>
      %lt3A_164 = arith.cmpf olt, %add3A_163, %select_n3A_157 : vector<256x128xf32>
      %select_n3A_165 = arith.select %lt3A_164, %add3A_163, %select_n3A_157 : vector<256x128xi1>, vector<256x128xf32>
      %jit3A_166 = arith.constant 1.700000e+01 : f32
      %broadcast_in_dim3A_167 = vector.broadcast %jit3A_166 : f32 to vector<256x128xf32>
      %select_n3A_168 = arith.select %lt3A_164, %broadcast_in_dim3A_167, %select_n3A_160 : vector<256x128xi1>, vector<256x128xf32>
      %slice3A_169 = vector.extract_strided_slice %dot_general3A_25 {offsets = [0, 2304], sizes = [256, 128], strides = [1, 1]} : vector<256x4096xf32> to vector<256x128xf32>
      %add3A_170 = vector.broadcast %broadcast_in_dim3A : vector<256x1xf32> to vector<256x128xf32>
      %add3A_171 = arith.addf %add3A_170, %slice3A_169 : vector<256x128xf32>
      %lt3A_172 = arith.cmpf olt, %add3A_171, %select_n3A_165 : vector<256x128xf32>
      %select_n3A_173 = arith.select %lt3A_172, %add3A_171, %select_n3A_165 : vector<256x128xi1>, vector<256x128xf32>
      %jit3A_174 = arith.constant 1.800000e+01 : f32
      %broadcast_in_dim3A_175 = vector.broadcast %jit3A_174 : f32 to vector<256x128xf32>
      %select_n3A_176 = arith.select %lt3A_172, %broadcast_in_dim3A_175, %select_n3A_168 : vector<256x128xi1>, vector<256x128xf32>
      %slice3A_177 = vector.extract_strided_slice %dot_general3A_25 {offsets = [0, 2432], sizes = [256, 128], strides = [1, 1]} : vector<256x4096xf32> to vector<256x128xf32>
      %add3A_178 = vector.broadcast %broadcast_in_dim3A : vector<256x1xf32> to vector<256x128xf32>
      %add3A_179 = arith.addf %add3A_178, %slice3A_177 : vector<256x128xf32>
      %lt3A_180 = arith.cmpf olt, %add3A_179, %select_n3A_173 : vector<256x128xf32>
      %select_n3A_181 = arith.select %lt3A_180, %add3A_179, %select_n3A_173 : vector<256x128xi1>, vector<256x128xf32>
      %jit3A_182 = arith.constant 1.900000e+01 : f32
      %broadcast_in_dim3A_183 = vector.broadcast %jit3A_182 : f32 to vector<256x128xf32>
      %select_n3A_184 = arith.select %lt3A_180, %broadcast_in_dim3A_183, %select_n3A_176 : vector<256x128xi1>, vector<256x128xf32>
      %slice3A_185 = vector.extract_strided_slice %dot_general3A_25 {offsets = [0, 2560], sizes = [256, 128], strides = [1, 1]} : vector<256x4096xf32> to vector<256x128xf32>
      %add3A_186 = vector.broadcast %broadcast_in_dim3A : vector<256x1xf32> to vector<256x128xf32>
      %add3A_187 = arith.addf %add3A_186, %slice3A_185 : vector<256x128xf32>
      %lt3A_188 = arith.cmpf olt, %add3A_187, %select_n3A_181 : vector<256x128xf32>
      %select_n3A_189 = arith.select %lt3A_188, %add3A_187, %select_n3A_181 : vector<256x128xi1>, vector<256x128xf32>
      %jit3A_190 = arith.constant 2.000000e+01 : f32
      %broadcast_in_dim3A_191 = vector.broadcast %jit3A_190 : f32 to vector<256x128xf32>
      %select_n3A_192 = arith.select %lt3A_188, %broadcast_in_dim3A_191, %select_n3A_184 : vector<256x128xi1>, vector<256x128xf32>
      %slice3A_193 = vector.extract_strided_slice %dot_general3A_25 {offsets = [0, 2688], sizes = [256, 128], strides = [1, 1]} : vector<256x4096xf32> to vector<256x128xf32>
      %add3A_194 = vector.broadcast %broadcast_in_dim3A : vector<256x1xf32> to vector<256x128xf32>
      %add3A_195 = arith.addf %add3A_194, %slice3A_193 : vector<256x128xf32>
      %lt3A_196 = arith.cmpf olt, %add3A_195, %select_n3A_189 : vector<256x128xf32>
      %select_n3A_197 = arith.select %lt3A_196, %add3A_195, %select_n3A_189 : vector<256x128xi1>, vector<256x128xf32>
      %jit3A_198 = arith.constant 2.100000e+01 : f32
      %broadcast_in_dim3A_199 = vector.broadcast %jit3A_198 : f32 to vector<256x128xf32>
      %select_n3A_200 = arith.select %lt3A_196, %broadcast_in_dim3A_199, %select_n3A_192 : vector<256x128xi1>, vector<256x128xf32>
      %slice3A_201 = vector.extract_strided_slice %dot_general3A_25 {offsets = [0, 2816], sizes = [256, 128], strides = [1, 1]} : vector<256x4096xf32> to vector<256x128xf32>
      %add3A_202 = vector.broadcast %broadcast_in_dim3A : vector<256x1xf32> to vector<256x128xf32>
      %add3A_203 = arith.addf %add3A_202, %slice3A_201 : vector<256x128xf32>
      %lt3A_204 = arith.cmpf olt, %add3A_203, %select_n3A_197 : vector<256x128xf32>
      %select_n3A_205 = arith.select %lt3A_204, %add3A_203, %select_n3A_197 : vector<256x128xi1>, vector<256x128xf32>
      %jit3A_206 = arith.constant 2.200000e+01 : f32
      %broadcast_in_dim3A_207 = vector.broadcast %jit3A_206 : f32 to vector<256x128xf32>
      %select_n3A_208 = arith.select %lt3A_204, %broadcast_in_dim3A_207, %select_n3A_200 : vector<256x128xi1>, vector<256x128xf32>
      %slice3A_209 = vector.extract_strided_slice %dot_general3A_25 {offsets = [0, 2944], sizes = [256, 128], strides = [1, 1]} : vector<256x4096xf32> to vector<256x128xf32>
      %add3A_210 = vector.broadcast %broadcast_in_dim3A : vector<256x1xf32> to vector<256x128xf32>
      %add3A_211 = arith.addf %add3A_210, %slice3A_209 : vector<256x128xf32>
      %lt3A_212 = arith.cmpf olt, %add3A_211, %select_n3A_205 : vector<256x128xf32>
      %select_n3A_213 = arith.select %lt3A_212, %add3A_211, %select_n3A_205 : vector<256x128xi1>, vector<256x128xf32>
      %jit3A_214 = arith.constant 2.300000e+01 : f32
      %broadcast_in_dim3A_215 = vector.broadcast %jit3A_214 : f32 to vector<256x128xf32>
      %select_n3A_216 = arith.select %lt3A_212, %broadcast_in_dim3A_215, %select_n3A_208 : vector<256x128xi1>, vector<256x128xf32>
      %slice3A_217 = vector.extract_strided_slice %dot_general3A_25 {offsets = [0, 3072], sizes = [256, 128], strides = [1, 1]} : vector<256x4096xf32> to vector<256x128xf32>
      %add3A_218 = vector.broadcast %broadcast_in_dim3A : vector<256x1xf32> to vector<256x128xf32>
      %add3A_219 = arith.addf %add3A_218, %slice3A_217 : vector<256x128xf32>
      %lt3A_220 = arith.cmpf olt, %add3A_219, %select_n3A_213 : vector<256x128xf32>
      %select_n3A_221 = arith.select %lt3A_220, %add3A_219, %select_n3A_213 : vector<256x128xi1>, vector<256x128xf32>
      %jit3A_222 = arith.constant 2.400000e+01 : f32
      %broadcast_in_dim3A_223 = vector.broadcast %jit3A_222 : f32 to vector<256x128xf32>
      %select_n3A_224 = arith.select %lt3A_220, %broadcast_in_dim3A_223, %select_n3A_216 : vector<256x128xi1>, vector<256x128xf32>
      %slice3A_225 = vector.extract_strided_slice %dot_general3A_25 {offsets = [0, 3200], sizes = [256, 128], strides = [1, 1]} : vector<256x4096xf32> to vector<256x128xf32>
      %add3A_226 = vector.broadcast %broadcast_in_dim3A : vector<256x1xf32> to vector<256x128xf32>
      %add3A_227 = arith.addf %add3A_226, %slice3A_225 : vector<256x128xf32>
      %lt3A_228 = arith.cmpf olt, %add3A_227, %select_n3A_221 : vector<256x128xf32>
      %select_n3A_229 = arith.select %lt3A_228, %add3A_227, %select_n3A_221 : vector<256x128xi1>, vector<256x128xf32>
      %jit3A_230 = arith.constant 2.500000e+01 : f32
      %broadcast_in_dim3A_231 = vector.broadcast %jit3A_230 : f32 to vector<256x128xf32>
      %select_n3A_232 = arith.select %lt3A_228, %broadcast_in_dim3A_231, %select_n3A_224 : vector<256x128xi1>, vector<256x128xf32>
      %slice3A_233 = vector.extract_strided_slice %dot_general3A_25 {offsets = [0, 3328], sizes = [256, 128], strides = [1, 1]} : vector<256x4096xf32> to vector<256x128xf32>
      %add3A_234 = vector.broadcast %broadcast_in_dim3A : vector<256x1xf32> to vector<256x128xf32>
      %add3A_235 = arith.addf %add3A_234, %slice3A_233 : vector<256x128xf32>
      %lt3A_236 = arith.cmpf olt, %add3A_235, %select_n3A_229 : vector<256x128xf32>
      %select_n3A_237 = arith.select %lt3A_236, %add3A_235, %select_n3A_229 : vector<256x128xi1>, vector<256x128xf32>
      %jit3A_238 = arith.constant 2.600000e+01 : f32
      %broadcast_in_dim3A_239 = vector.broadcast %jit3A_238 : f32 to vector<256x128xf32>
      %select_n3A_240 = arith.select %lt3A_236, %broadcast_in_dim3A_239, %select_n3A_232 : vector<256x128xi1>, vector<256x128xf32>
      %slice3A_241 = vector.extract_strided_slice %dot_general3A_25 {offsets = [0, 3456], sizes = [256, 128], strides = [1, 1]} : vector<256x4096xf32> to vector<256x128xf32>
      %add3A_242 = vector.broadcast %broadcast_in_dim3A : vector<256x1xf32> to vector<256x128xf32>
      %add3A_243 = arith.addf %add3A_242, %slice3A_241 : vector<256x128xf32>
      %lt3A_244 = arith.cmpf olt, %add3A_243, %select_n3A_237 : vector<256x128xf32>
      %select_n3A_245 = arith.select %lt3A_244, %add3A_243, %select_n3A_237 : vector<256x128xi1>, vector<256x128xf32>
      %jit3A_246 = arith.constant 2.700000e+01 : f32
      %broadcast_in_dim3A_247 = vector.broadcast %jit3A_246 : f32 to vector<256x128xf32>
      %select_n3A_248 = arith.select %lt3A_244, %broadcast_in_dim3A_247, %select_n3A_240 : vector<256x128xi1>, vector<256x128xf32>
      %slice3A_249 = vector.extract_strided_slice %dot_general3A_25 {offsets = [0, 3584], sizes = [256, 128], strides = [1, 1]} : vector<256x4096xf32> to vector<256x128xf32>
      %add3A_250 = vector.broadcast %broadcast_in_dim3A : vector<256x1xf32> to vector<256x128xf32>
      %add3A_251 = arith.addf %add3A_250, %slice3A_249 : vector<256x128xf32>
      %lt3A_252 = arith.cmpf olt, %add3A_251, %select_n3A_245 : vector<256x128xf32>
      %select_n3A_253 = arith.select %lt3A_252, %add3A_251, %select_n3A_245 : vector<256x128xi1>, vector<256x128xf32>
      %jit3A_254 = arith.constant 2.800000e+01 : f32
      %broadcast_in_dim3A_255 = vector.broadcast %jit3A_254 : f32 to vector<256x128xf32>
      %select_n3A_256 = arith.select %lt3A_252, %broadcast_in_dim3A_255, %select_n3A_248 : vector<256x128xi1>, vector<256x128xf32>
      %slice3A_257 = vector.extract_strided_slice %dot_general3A_25 {offsets = [0, 3712], sizes = [256, 128], strides = [1, 1]} : vector<256x4096xf32> to vector<256x128xf32>
      %add3A_258 = vector.broadcast %broadcast_in_dim3A : vector<256x1xf32> to vector<256x128xf32>
      %add3A_259 = arith.addf %add3A_258, %slice3A_257 : vector<256x128xf32>
      %lt3A_260 = arith.cmpf olt, %add3A_259, %select_n3A_253 : vector<256x128xf32>
      %select_n3A_261 = arith.select %lt3A_260, %add3A_259, %select_n3A_253 : vector<256x128xi1>, vector<256x128xf32>
      %jit3A_262 = arith.constant 2.900000e+01 : f32
      %broadcast_in_dim3A_263 = vector.broadcast %jit3A_262 : f32 to vector<256x128xf32>
      %select_n3A_264 = arith.select %lt3A_260, %broadcast_in_dim3A_263, %select_n3A_256 : vector<256x128xi1>, vector<256x128xf32>
      %slice3A_265 = vector.extract_strided_slice %dot_general3A_25 {offsets = [0, 3840], sizes = [256, 128], strides = [1, 1]} : vector<256x4096xf32> to vector<256x128xf32>
      %add3A_266 = vector.broadcast %broadcast_in_dim3A : vector<256x1xf32> to vector<256x128xf32>
      %add3A_267 = arith.addf %add3A_266, %slice3A_265 : vector<256x128xf32>
      %lt3A_268 = arith.cmpf olt, %add3A_267, %select_n3A_261 : vector<256x128xf32>
      %select_n3A_269 = arith.select %lt3A_268, %add3A_267, %select_n3A_261 : vector<256x128xi1>, vector<256x128xf32>
      %jit3A_270 = arith.constant 3.000000e+01 : f32
      %broadcast_in_dim3A_271 = vector.broadcast %jit3A_270 : f32 to vector<256x128xf32>
      %select_n3A_272 = arith.select %lt3A_268, %broadcast_in_dim3A_271, %select_n3A_264 : vector<256x128xi1>, vector<256x128xf32>
      %slice3A_273 = vector.extract_strided_slice %dot_general3A_25 {offsets = [0, 3968], sizes = [256, 128], strides = [1, 1]} : vector<256x4096xf32> to vector<256x128xf32>
      %add3A_274 = vector.broadcast %broadcast_in_dim3A : vector<256x1xf32> to vector<256x128xf32>
      %add3A_275 = arith.addf %add3A_274, %slice3A_273 : vector<256x128xf32>
      %lt3A_276 = arith.cmpf olt, %add3A_275, %select_n3A_269 : vector<256x128xf32>
      %select_n3A_277 = arith.select %lt3A_276, %add3A_275, %select_n3A_269 : vector<256x128xi1>, vector<256x128xf32>
      %jit3A_278 = arith.constant 3.100000e+01 : f32
      %broadcast_in_dim3A_279 = vector.broadcast %jit3A_278 : f32 to vector<256x128xf32>
      %select_n3A_280 = arith.select %lt3A_276, %broadcast_in_dim3A_279, %select_n3A_272 : vector<256x128xi1>, vector<256x128xf32>
      %reduce_min3A = arith.constant dense<0x7F800000> : vector<256xf32>
      %reduce_min3A_281 = vector.multi_reduction <minimumf>, %select_n3A_277, %reduce_min3A [1] : vector<256x128xf32> to vector<256xf32>
      %broadcast_in_dim3A_282 = vector.shape_cast %reduce_min3A_281 : vector<256xf32> to vector<256x1xf32>
      %mul3A_283 = arith.constant 1.280000e+02 : f32
      %mul3A_284 = vector.broadcast %mul3A_283 : f32 to vector<256x128xf32>
      %mul3A_285 = arith.mulf %select_n3A_280, %mul3A_284 : vector<256x128xf32>
      %add3A_286 = arith.addf %mul3A_285, %convert_element_type3A : vector<256x128xf32>
      %eq3A = vector.broadcast %broadcast_in_dim3A_282 : vector<256x1xf32> to vector<256x128xf32>
      %eq3A_287 = arith.cmpf oeq, %select_n3A_277, %eq3A : vector<256x128xf32>
      %jit3A_288 = arith.constant 8.192000e+03 : f32
      %broadcast_in_dim3A_289 = vector.broadcast %jit3A_288 : f32 to vector<256x128xf32>
      %select_n3A_290 = arith.select %eq3A_287, %add3A_286, %broadcast_in_dim3A_289 : vector<256x128xi1>, vector<256x128xf32>
      %reduce_min3A_291 = arith.constant dense<0x7F800000> : vector<256xf32>
      %reduce_min3A_292 = vector.multi_reduction <minimumf>, %select_n3A_290, %reduce_min3A_291 [1] : vector<256x128xf32> to vector<256xf32>
      %broadcast_in_dim3A_293 = vector.shape_cast %reduce_min3A_292 : vector<256xf32> to vector<256x1xf32>
      %add3A_294 = arith.constant 0.000000e+00 : f32
      %add3A_295 = vector.broadcast %add3A_294 : f32 to vector<256x1xf32>
      %add3A_296 = arith.addf %broadcast_in_dim3A_293, %add3A_295 : vector<256x1xf32>
      %lt3A_297 = arith.cmpf olt, %broadcast_in_dim3A_282, %broadcast_in_dim3A_19 : vector<256x1xf32>
      %select_n3A_298 = arith.select %lt3A_297, %add3A_296, %broadcast_in_dim3A_21 : vector<256x1xi1>, vector<256x1xf32>
      %select_n3A_299 = arith.select %lt3A_297, %broadcast_in_dim3A_282, %broadcast_in_dim3A_19 : vector<256x1xi1>, vector<256x1xf32>
      %convert_element_type3A_300 = arith.truncf %select_n3A_299 : vector<256x1xf32> to vector<256x1xbf16>
      %convert_element_type3A_301 = arith.extf %convert_element_type3A_300 : vector<256x1xbf16> to vector<256x1xf32>
      %get3A_302 = arith.constant 4096 : index
      %get3A_303 = arith.constant 0 : index
      %get3A_304 = vector.load %arg3[%get3A_302, %get3A_303] : memref<8192x64xf32, #tpu.memory_space<vmem>>, vector<4096x64xf32>
      %dot_general3A_305 = arith.constant dense<0.000000e+00> : vector<256x4096xf32>
      %dot_general3A_306 = tpu.matmul %get3A_15, %get3A_304, %dot_general3A_305 {dimension_numbers = #tpu.dot_dimension_numbers<[1], [1], [0], [0], [0, 0, 1, 0], [], []>, transpose_lhs_hint = false} : vector<256x64xf32>, vector<4096x64xf32>, vector<256x4096xf32> -> vector<256x4096xf32>
      %broadcast_in_dim3A_307 = arith.constant 0x7F800000 : f32
      %broadcast_in_dim3A_308 = vector.broadcast %broadcast_in_dim3A_307 : f32 to vector<256x128xf32>
      %broadcast_in_dim3A_309 = arith.constant 0.000000e+00 : f32
      %broadcast_in_dim3A_310 = vector.broadcast %broadcast_in_dim3A_309 : f32 to vector<256x128xf32>
      %slice3A_311 = vector.extract_strided_slice %dot_general3A_306 {offsets = [0, 0], sizes = [256, 128], strides = [1, 1]} : vector<256x4096xf32> to vector<256x128xf32>
      %add3A_312 = vector.broadcast %broadcast_in_dim3A : vector<256x1xf32> to vector<256x128xf32>
      %add3A_313 = arith.addf %add3A_312, %slice3A_311 : vector<256x128xf32>
      %lt3A_314 = arith.cmpf olt, %add3A_313, %broadcast_in_dim3A_308 : vector<256x128xf32>
      %select_n3A_315 = arith.select %lt3A_314, %add3A_313, %broadcast_in_dim3A_308 : vector<256x128xi1>, vector<256x128xf32>
      %jit3A_316 = arith.constant 0.000000e+00 : f32
      %broadcast_in_dim3A_317 = vector.broadcast %jit3A_316 : f32 to vector<256x128xf32>
      %select_n3A_318 = arith.select %lt3A_314, %broadcast_in_dim3A_317, %broadcast_in_dim3A_310 : vector<256x128xi1>, vector<256x128xf32>
      %slice3A_319 = vector.extract_strided_slice %dot_general3A_306 {offsets = [0, 128], sizes = [256, 128], strides = [1, 1]} : vector<256x4096xf32> to vector<256x128xf32>
      %add3A_320 = vector.broadcast %broadcast_in_dim3A : vector<256x1xf32> to vector<256x128xf32>
      %add3A_321 = arith.addf %add3A_320, %slice3A_319 : vector<256x128xf32>
      %lt3A_322 = arith.cmpf olt, %add3A_321, %select_n3A_315 : vector<256x128xf32>
      %select_n3A_323 = arith.select %lt3A_322, %add3A_321, %select_n3A_315 : vector<256x128xi1>, vector<256x128xf32>
      %jit3A_324 = arith.constant 1.000000e+00 : f32
      %broadcast_in_dim3A_325 = vector.broadcast %jit3A_324 : f32 to vector<256x128xf32>
      %select_n3A_326 = arith.select %lt3A_322, %broadcast_in_dim3A_325, %select_n3A_318 : vector<256x128xi1>, vector<256x128xf32>
      %slice3A_327 = vector.extract_strided_slice %dot_general3A_306 {offsets = [0, 256], sizes = [256, 128], strides = [1, 1]} : vector<256x4096xf32> to vector<256x128xf32>
      %add3A_328 = vector.broadcast %broadcast_in_dim3A : vector<256x1xf32> to vector<256x128xf32>
      %add3A_329 = arith.addf %add3A_328, %slice3A_327 : vector<256x128xf32>
      %lt3A_330 = arith.cmpf olt, %add3A_329, %select_n3A_323 : vector<256x128xf32>
      %select_n3A_331 = arith.select %lt3A_330, %add3A_329, %select_n3A_323 : vector<256x128xi1>, vector<256x128xf32>
      %jit3A_332 = arith.constant 2.000000e+00 : f32
      %broadcast_in_dim3A_333 = vector.broadcast %jit3A_332 : f32 to vector<256x128xf32>
      %select_n3A_334 = arith.select %lt3A_330, %broadcast_in_dim3A_333, %select_n3A_326 : vector<256x128xi1>, vector<256x128xf32>
      %slice3A_335 = vector.extract_strided_slice %dot_general3A_306 {offsets = [0, 384], sizes = [256, 128], strides = [1, 1]} : vector<256x4096xf32> to vector<256x128xf32>
      %add3A_336 = vector.broadcast %broadcast_in_dim3A : vector<256x1xf32> to vector<256x128xf32>
      %add3A_337 = arith.addf %add3A_336, %slice3A_335 : vector<256x128xf32>
      %lt3A_338 = arith.cmpf olt, %add3A_337, %select_n3A_331 : vector<256x128xf32>
      %select_n3A_339 = arith.select %lt3A_338, %add3A_337, %select_n3A_331 : vector<256x128xi1>, vector<256x128xf32>
      %jit3A_340 = arith.constant 3.000000e+00 : f32
      %broadcast_in_dim3A_341 = vector.broadcast %jit3A_340 : f32 to vector<256x128xf32>
      %select_n3A_342 = arith.select %lt3A_338, %broadcast_in_dim3A_341, %select_n3A_334 : vector<256x128xi1>, vector<256x128xf32>
      %slice3A_343 = vector.extract_strided_slice %dot_general3A_306 {offsets = [0, 512], sizes = [256, 128], strides = [1, 1]} : vector<256x4096xf32> to vector<256x128xf32>
      %add3A_344 = vector.broadcast %broadcast_in_dim3A : vector<256x1xf32> to vector<256x128xf32>
      %add3A_345 = arith.addf %add3A_344, %slice3A_343 : vector<256x128xf32>
      %lt3A_346 = arith.cmpf olt, %add3A_345, %select_n3A_339 : vector<256x128xf32>
      %select_n3A_347 = arith.select %lt3A_346, %add3A_345, %select_n3A_339 : vector<256x128xi1>, vector<256x128xf32>
      %jit3A_348 = arith.constant 4.000000e+00 : f32
      %broadcast_in_dim3A_349 = vector.broadcast %jit3A_348 : f32 to vector<256x128xf32>
      %select_n3A_350 = arith.select %lt3A_346, %broadcast_in_dim3A_349, %select_n3A_342 : vector<256x128xi1>, vector<256x128xf32>
      %slice3A_351 = vector.extract_strided_slice %dot_general3A_306 {offsets = [0, 640], sizes = [256, 128], strides = [1, 1]} : vector<256x4096xf32> to vector<256x128xf32>
      %add3A_352 = vector.broadcast %broadcast_in_dim3A : vector<256x1xf32> to vector<256x128xf32>
      %add3A_353 = arith.addf %add3A_352, %slice3A_351 : vector<256x128xf32>
      %lt3A_354 = arith.cmpf olt, %add3A_353, %select_n3A_347 : vector<256x128xf32>
      %select_n3A_355 = arith.select %lt3A_354, %add3A_353, %select_n3A_347 : vector<256x128xi1>, vector<256x128xf32>
      %jit3A_356 = arith.constant 5.000000e+00 : f32
      %broadcast_in_dim3A_357 = vector.broadcast %jit3A_356 : f32 to vector<256x128xf32>
      %select_n3A_358 = arith.select %lt3A_354, %broadcast_in_dim3A_357, %select_n3A_350 : vector<256x128xi1>, vector<256x128xf32>
      %slice3A_359 = vector.extract_strided_slice %dot_general3A_306 {offsets = [0, 768], sizes = [256, 128], strides = [1, 1]} : vector<256x4096xf32> to vector<256x128xf32>
      %add3A_360 = vector.broadcast %broadcast_in_dim3A : vector<256x1xf32> to vector<256x128xf32>
      %add3A_361 = arith.addf %add3A_360, %slice3A_359 : vector<256x128xf32>
      %lt3A_362 = arith.cmpf olt, %add3A_361, %select_n3A_355 : vector<256x128xf32>
      %select_n3A_363 = arith.select %lt3A_362, %add3A_361, %select_n3A_355 : vector<256x128xi1>, vector<256x128xf32>
      %jit3A_364 = arith.constant 6.000000e+00 : f32
      %broadcast_in_dim3A_365 = vector.broadcast %jit3A_364 : f32 to vector<256x128xf32>
      %select_n3A_366 = arith.select %lt3A_362, %broadcast_in_dim3A_365, %select_n3A_358 : vector<256x128xi1>, vector<256x128xf32>
      %slice3A_367 = vector.extract_strided_slice %dot_general3A_306 {offsets = [0, 896], sizes = [256, 128], strides = [1, 1]} : vector<256x4096xf32> to vector<256x128xf32>
      %add3A_368 = vector.broadcast %broadcast_in_dim3A : vector<256x1xf32> to vector<256x128xf32>
      %add3A_369 = arith.addf %add3A_368, %slice3A_367 : vector<256x128xf32>
      %lt3A_370 = arith.cmpf olt, %add3A_369, %select_n3A_363 : vector<256x128xf32>
      %select_n3A_371 = arith.select %lt3A_370, %add3A_369, %select_n3A_363 : vector<256x128xi1>, vector<256x128xf32>
      %jit3A_372 = arith.constant 7.000000e+00 : f32
      %broadcast_in_dim3A_373 = vector.broadcast %jit3A_372 : f32 to vector<256x128xf32>
      %select_n3A_374 = arith.select %lt3A_370, %broadcast_in_dim3A_373, %select_n3A_366 : vector<256x128xi1>, vector<256x128xf32>
      %slice3A_375 = vector.extract_strided_slice %dot_general3A_306 {offsets = [0, 1024], sizes = [256, 128], strides = [1, 1]} : vector<256x4096xf32> to vector<256x128xf32>
      %add3A_376 = vector.broadcast %broadcast_in_dim3A : vector<256x1xf32> to vector<256x128xf32>
      %add3A_377 = arith.addf %add3A_376, %slice3A_375 : vector<256x128xf32>
      %lt3A_378 = arith.cmpf olt, %add3A_377, %select_n3A_371 : vector<256x128xf32>
      %select_n3A_379 = arith.select %lt3A_378, %add3A_377, %select_n3A_371 : vector<256x128xi1>, vector<256x128xf32>
      %jit3A_380 = arith.constant 8.000000e+00 : f32
      %broadcast_in_dim3A_381 = vector.broadcast %jit3A_380 : f32 to vector<256x128xf32>
      %select_n3A_382 = arith.select %lt3A_378, %broadcast_in_dim3A_381, %select_n3A_374 : vector<256x128xi1>, vector<256x128xf32>
      %slice3A_383 = vector.extract_strided_slice %dot_general3A_306 {offsets = [0, 1152], sizes = [256, 128], strides = [1, 1]} : vector<256x4096xf32> to vector<256x128xf32>
      %add3A_384 = vector.broadcast %broadcast_in_dim3A : vector<256x1xf32> to vector<256x128xf32>
      %add3A_385 = arith.addf %add3A_384, %slice3A_383 : vector<256x128xf32>
      %lt3A_386 = arith.cmpf olt, %add3A_385, %select_n3A_379 : vector<256x128xf32>
      %select_n3A_387 = arith.select %lt3A_386, %add3A_385, %select_n3A_379 : vector<256x128xi1>, vector<256x128xf32>
      %jit3A_388 = arith.constant 9.000000e+00 : f32
      %broadcast_in_dim3A_389 = vector.broadcast %jit3A_388 : f32 to vector<256x128xf32>
      %select_n3A_390 = arith.select %lt3A_386, %broadcast_in_dim3A_389, %select_n3A_382 : vector<256x128xi1>, vector<256x128xf32>
      %slice3A_391 = vector.extract_strided_slice %dot_general3A_306 {offsets = [0, 1280], sizes = [256, 128], strides = [1, 1]} : vector<256x4096xf32> to vector<256x128xf32>
      %add3A_392 = vector.broadcast %broadcast_in_dim3A : vector<256x1xf32> to vector<256x128xf32>
      %add3A_393 = arith.addf %add3A_392, %slice3A_391 : vector<256x128xf32>
      %lt3A_394 = arith.cmpf olt, %add3A_393, %select_n3A_387 : vector<256x128xf32>
      %select_n3A_395 = arith.select %lt3A_394, %add3A_393, %select_n3A_387 : vector<256x128xi1>, vector<256x128xf32>
      %jit3A_396 = arith.constant 1.000000e+01 : f32
      %broadcast_in_dim3A_397 = vector.broadcast %jit3A_396 : f32 to vector<256x128xf32>
      %select_n3A_398 = arith.select %lt3A_394, %broadcast_in_dim3A_397, %select_n3A_390 : vector<256x128xi1>, vector<256x128xf32>
      %slice3A_399 = vector.extract_strided_slice %dot_general3A_306 {offsets = [0, 1408], sizes = [256, 128], strides = [1, 1]} : vector<256x4096xf32> to vector<256x128xf32>
      %add3A_400 = vector.broadcast %broadcast_in_dim3A : vector<256x1xf32> to vector<256x128xf32>
      %add3A_401 = arith.addf %add3A_400, %slice3A_399 : vector<256x128xf32>
      %lt3A_402 = arith.cmpf olt, %add3A_401, %select_n3A_395 : vector<256x128xf32>
      %select_n3A_403 = arith.select %lt3A_402, %add3A_401, %select_n3A_395 : vector<256x128xi1>, vector<256x128xf32>
      %jit3A_404 = arith.constant 1.100000e+01 : f32
      %broadcast_in_dim3A_405 = vector.broadcast %jit3A_404 : f32 to vector<256x128xf32>
      %select_n3A_406 = arith.select %lt3A_402, %broadcast_in_dim3A_405, %select_n3A_398 : vector<256x128xi1>, vector<256x128xf32>
      %slice3A_407 = vector.extract_strided_slice %dot_general3A_306 {offsets = [0, 1536], sizes = [256, 128], strides = [1, 1]} : vector<256x4096xf32> to vector<256x128xf32>
      %add3A_408 = vector.broadcast %broadcast_in_dim3A : vector<256x1xf32> to vector<256x128xf32>
      %add3A_409 = arith.addf %add3A_408, %slice3A_407 : vector<256x128xf32>
      %lt3A_410 = arith.cmpf olt, %add3A_409, %select_n3A_403 : vector<256x128xf32>
      %select_n3A_411 = arith.select %lt3A_410, %add3A_409, %select_n3A_403 : vector<256x128xi1>, vector<256x128xf32>
      %jit3A_412 = arith.constant 1.200000e+01 : f32
      %broadcast_in_dim3A_413 = vector.broadcast %jit3A_412 : f32 to vector<256x128xf32>
      %select_n3A_414 = arith.select %lt3A_410, %broadcast_in_dim3A_413, %select_n3A_406 : vector<256x128xi1>, vector<256x128xf32>
      %slice3A_415 = vector.extract_strided_slice %dot_general3A_306 {offsets = [0, 1664], sizes = [256, 128], strides = [1, 1]} : vector<256x4096xf32> to vector<256x128xf32>
      %add3A_416 = vector.broadcast %broadcast_in_dim3A : vector<256x1xf32> to vector<256x128xf32>
      %add3A_417 = arith.addf %add3A_416, %slice3A_415 : vector<256x128xf32>
      %lt3A_418 = arith.cmpf olt, %add3A_417, %select_n3A_411 : vector<256x128xf32>
      %select_n3A_419 = arith.select %lt3A_418, %add3A_417, %select_n3A_411 : vector<256x128xi1>, vector<256x128xf32>
      %jit3A_420 = arith.constant 1.300000e+01 : f32
      %broadcast_in_dim3A_421 = vector.broadcast %jit3A_420 : f32 to vector<256x128xf32>
      %select_n3A_422 = arith.select %lt3A_418, %broadcast_in_dim3A_421, %select_n3A_414 : vector<256x128xi1>, vector<256x128xf32>
      %slice3A_423 = vector.extract_strided_slice %dot_general3A_306 {offsets = [0, 1792], sizes = [256, 128], strides = [1, 1]} : vector<256x4096xf32> to vector<256x128xf32>
      %add3A_424 = vector.broadcast %broadcast_in_dim3A : vector<256x1xf32> to vector<256x128xf32>
      %add3A_425 = arith.addf %add3A_424, %slice3A_423 : vector<256x128xf32>
      %lt3A_426 = arith.cmpf olt, %add3A_425, %select_n3A_419 : vector<256x128xf32>
      %select_n3A_427 = arith.select %lt3A_426, %add3A_425, %select_n3A_419 : vector<256x128xi1>, vector<256x128xf32>
      %jit3A_428 = arith.constant 1.400000e+01 : f32
      %broadcast_in_dim3A_429 = vector.broadcast %jit3A_428 : f32 to vector<256x128xf32>
      %select_n3A_430 = arith.select %lt3A_426, %broadcast_in_dim3A_429, %select_n3A_422 : vector<256x128xi1>, vector<256x128xf32>
      %slice3A_431 = vector.extract_strided_slice %dot_general3A_306 {offsets = [0, 1920], sizes = [256, 128], strides = [1, 1]} : vector<256x4096xf32> to vector<256x128xf32>
      %add3A_432 = vector.broadcast %broadcast_in_dim3A : vector<256x1xf32> to vector<256x128xf32>
      %add3A_433 = arith.addf %add3A_432, %slice3A_431 : vector<256x128xf32>
      %lt3A_434 = arith.cmpf olt, %add3A_433, %select_n3A_427 : vector<256x128xf32>
      %select_n3A_435 = arith.select %lt3A_434, %add3A_433, %select_n3A_427 : vector<256x128xi1>, vector<256x128xf32>
      %jit3A_436 = arith.constant 1.500000e+01 : f32
      %broadcast_in_dim3A_437 = vector.broadcast %jit3A_436 : f32 to vector<256x128xf32>
      %select_n3A_438 = arith.select %lt3A_434, %broadcast_in_dim3A_437, %select_n3A_430 : vector<256x128xi1>, vector<256x128xf32>
      %slice3A_439 = vector.extract_strided_slice %dot_general3A_306 {offsets = [0, 2048], sizes = [256, 128], strides = [1, 1]} : vector<256x4096xf32> to vector<256x128xf32>
      %add3A_440 = vector.broadcast %broadcast_in_dim3A : vector<256x1xf32> to vector<256x128xf32>
      %add3A_441 = arith.addf %add3A_440, %slice3A_439 : vector<256x128xf32>
      %lt3A_442 = arith.cmpf olt, %add3A_441, %select_n3A_435 : vector<256x128xf32>
      %select_n3A_443 = arith.select %lt3A_442, %add3A_441, %select_n3A_435 : vector<256x128xi1>, vector<256x128xf32>
      %jit3A_444 = arith.constant 1.600000e+01 : f32
      %broadcast_in_dim3A_445 = vector.broadcast %jit3A_444 : f32 to vector<256x128xf32>
      %select_n3A_446 = arith.select %lt3A_442, %broadcast_in_dim3A_445, %select_n3A_438 : vector<256x128xi1>, vector<256x128xf32>
      %slice3A_447 = vector.extract_strided_slice %dot_general3A_306 {offsets = [0, 2176], sizes = [256, 128], strides = [1, 1]} : vector<256x4096xf32> to vector<256x128xf32>
      %add3A_448 = vector.broadcast %broadcast_in_dim3A : vector<256x1xf32> to vector<256x128xf32>
      %add3A_449 = arith.addf %add3A_448, %slice3A_447 : vector<256x128xf32>
      %lt3A_450 = arith.cmpf olt, %add3A_449, %select_n3A_443 : vector<256x128xf32>
      %select_n3A_451 = arith.select %lt3A_450, %add3A_449, %select_n3A_443 : vector<256x128xi1>, vector<256x128xf32>
      %jit3A_452 = arith.constant 1.700000e+01 : f32
      %broadcast_in_dim3A_453 = vector.broadcast %jit3A_452 : f32 to vector<256x128xf32>
      %select_n3A_454 = arith.select %lt3A_450, %broadcast_in_dim3A_453, %select_n3A_446 : vector<256x128xi1>, vector<256x128xf32>
      %slice3A_455 = vector.extract_strided_slice %dot_general3A_306 {offsets = [0, 2304], sizes = [256, 128], strides = [1, 1]} : vector<256x4096xf32> to vector<256x128xf32>
      %add3A_456 = vector.broadcast %broadcast_in_dim3A : vector<256x1xf32> to vector<256x128xf32>
      %add3A_457 = arith.addf %add3A_456, %slice3A_455 : vector<256x128xf32>
      %lt3A_458 = arith.cmpf olt, %add3A_457, %select_n3A_451 : vector<256x128xf32>
      %select_n3A_459 = arith.select %lt3A_458, %add3A_457, %select_n3A_451 : vector<256x128xi1>, vector<256x128xf32>
      %jit3A_460 = arith.constant 1.800000e+01 : f32
      %broadcast_in_dim3A_461 = vector.broadcast %jit3A_460 : f32 to vector<256x128xf32>
      %select_n3A_462 = arith.select %lt3A_458, %broadcast_in_dim3A_461, %select_n3A_454 : vector<256x128xi1>, vector<256x128xf32>
      %slice3A_463 = vector.extract_strided_slice %dot_general3A_306 {offsets = [0, 2432], sizes = [256, 128], strides = [1, 1]} : vector<256x4096xf32> to vector<256x128xf32>
      %add3A_464 = vector.broadcast %broadcast_in_dim3A : vector<256x1xf32> to vector<256x128xf32>
      %add3A_465 = arith.addf %add3A_464, %slice3A_463 : vector<256x128xf32>
      %lt3A_466 = arith.cmpf olt, %add3A_465, %select_n3A_459 : vector<256x128xf32>
      %select_n3A_467 = arith.select %lt3A_466, %add3A_465, %select_n3A_459 : vector<256x128xi1>, vector<256x128xf32>
      %jit3A_468 = arith.constant 1.900000e+01 : f32
      %broadcast_in_dim3A_469 = vector.broadcast %jit3A_468 : f32 to vector<256x128xf32>
      %select_n3A_470 = arith.select %lt3A_466, %broadcast_in_dim3A_469, %select_n3A_462 : vector<256x128xi1>, vector<256x128xf32>
      %slice3A_471 = vector.extract_strided_slice %dot_general3A_306 {offsets = [0, 2560], sizes = [256, 128], strides = [1, 1]} : vector<256x4096xf32> to vector<256x128xf32>
      %add3A_472 = vector.broadcast %broadcast_in_dim3A : vector<256x1xf32> to vector<256x128xf32>
      %add3A_473 = arith.addf %add3A_472, %slice3A_471 : vector<256x128xf32>
      %lt3A_474 = arith.cmpf olt, %add3A_473, %select_n3A_467 : vector<256x128xf32>
      %select_n3A_475 = arith.select %lt3A_474, %add3A_473, %select_n3A_467 : vector<256x128xi1>, vector<256x128xf32>
      %jit3A_476 = arith.constant 2.000000e+01 : f32
      %broadcast_in_dim3A_477 = vector.broadcast %jit3A_476 : f32 to vector<256x128xf32>
      %select_n3A_478 = arith.select %lt3A_474, %broadcast_in_dim3A_477, %select_n3A_470 : vector<256x128xi1>, vector<256x128xf32>
      %slice3A_479 = vector.extract_strided_slice %dot_general3A_306 {offsets = [0, 2688], sizes = [256, 128], strides = [1, 1]} : vector<256x4096xf32> to vector<256x128xf32>
      %add3A_480 = vector.broadcast %broadcast_in_dim3A : vector<256x1xf32> to vector<256x128xf32>
      %add3A_481 = arith.addf %add3A_480, %slice3A_479 : vector<256x128xf32>
      %lt3A_482 = arith.cmpf olt, %add3A_481, %select_n3A_475 : vector<256x128xf32>
      %select_n3A_483 = arith.select %lt3A_482, %add3A_481, %select_n3A_475 : vector<256x128xi1>, vector<256x128xf32>
      %jit3A_484 = arith.constant 2.100000e+01 : f32
      %broadcast_in_dim3A_485 = vector.broadcast %jit3A_484 : f32 to vector<256x128xf32>
      %select_n3A_486 = arith.select %lt3A_482, %broadcast_in_dim3A_485, %select_n3A_478 : vector<256x128xi1>, vector<256x128xf32>
      %slice3A_487 = vector.extract_strided_slice %dot_general3A_306 {offsets = [0, 2816], sizes = [256, 128], strides = [1, 1]} : vector<256x4096xf32> to vector<256x128xf32>
      %add3A_488 = vector.broadcast %broadcast_in_dim3A : vector<256x1xf32> to vector<256x128xf32>
      %add3A_489 = arith.addf %add3A_488, %slice3A_487 : vector<256x128xf32>
      %lt3A_490 = arith.cmpf olt, %add3A_489, %select_n3A_483 : vector<256x128xf32>
      %select_n3A_491 = arith.select %lt3A_490, %add3A_489, %select_n3A_483 : vector<256x128xi1>, vector<256x128xf32>
      %jit3A_492 = arith.constant 2.200000e+01 : f32
      %broadcast_in_dim3A_493 = vector.broadcast %jit3A_492 : f32 to vector<256x128xf32>
      %select_n3A_494 = arith.select %lt3A_490, %broadcast_in_dim3A_493, %select_n3A_486 : vector<256x128xi1>, vector<256x128xf32>
      %slice3A_495 = vector.extract_strided_slice %dot_general3A_306 {offsets = [0, 2944], sizes = [256, 128], strides = [1, 1]} : vector<256x4096xf32> to vector<256x128xf32>
      %add3A_496 = vector.broadcast %broadcast_in_dim3A : vector<256x1xf32> to vector<256x128xf32>
      %add3A_497 = arith.addf %add3A_496, %slice3A_495 : vector<256x128xf32>
      %lt3A_498 = arith.cmpf olt, %add3A_497, %select_n3A_491 : vector<256x128xf32>
      %select_n3A_499 = arith.select %lt3A_498, %add3A_497, %select_n3A_491 : vector<256x128xi1>, vector<256x128xf32>
      %jit3A_500 = arith.constant 2.300000e+01 : f32
      %broadcast_in_dim3A_501 = vector.broadcast %jit3A_500 : f32 to vector<256x128xf32>
      %select_n3A_502 = arith.select %lt3A_498, %broadcast_in_dim3A_501, %select_n3A_494 : vector<256x128xi1>, vector<256x128xf32>
      %slice3A_503 = vector.extract_strided_slice %dot_general3A_306 {offsets = [0, 3072], sizes = [256, 128], strides = [1, 1]} : vector<256x4096xf32> to vector<256x128xf32>
      %add3A_504 = vector.broadcast %broadcast_in_dim3A : vector<256x1xf32> to vector<256x128xf32>
      %add3A_505 = arith.addf %add3A_504, %slice3A_503 : vector<256x128xf32>
      %lt3A_506 = arith.cmpf olt, %add3A_505, %select_n3A_499 : vector<256x128xf32>
      %select_n3A_507 = arith.select %lt3A_506, %add3A_505, %select_n3A_499 : vector<256x128xi1>, vector<256x128xf32>
      %jit3A_508 = arith.constant 2.400000e+01 : f32
      %broadcast_in_dim3A_509 = vector.broadcast %jit3A_508 : f32 to vector<256x128xf32>
      %select_n3A_510 = arith.select %lt3A_506, %broadcast_in_dim3A_509, %select_n3A_502 : vector<256x128xi1>, vector<256x128xf32>
      %slice3A_511 = vector.extract_strided_slice %dot_general3A_306 {offsets = [0, 3200], sizes = [256, 128], strides = [1, 1]} : vector<256x4096xf32> to vector<256x128xf32>
      %add3A_512 = vector.broadcast %broadcast_in_dim3A : vector<256x1xf32> to vector<256x128xf32>
      %add3A_513 = arith.addf %add3A_512, %slice3A_511 : vector<256x128xf32>
      %lt3A_514 = arith.cmpf olt, %add3A_513, %select_n3A_507 : vector<256x128xf32>
      %select_n3A_515 = arith.select %lt3A_514, %add3A_513, %select_n3A_507 : vector<256x128xi1>, vector<256x128xf32>
      %jit3A_516 = arith.constant 2.500000e+01 : f32
      %broadcast_in_dim3A_517 = vector.broadcast %jit3A_516 : f32 to vector<256x128xf32>
      %select_n3A_518 = arith.select %lt3A_514, %broadcast_in_dim3A_517, %select_n3A_510 : vector<256x128xi1>, vector<256x128xf32>
      %slice3A_519 = vector.extract_strided_slice %dot_general3A_306 {offsets = [0, 3328], sizes = [256, 128], strides = [1, 1]} : vector<256x4096xf32> to vector<256x128xf32>
      %add3A_520 = vector.broadcast %broadcast_in_dim3A : vector<256x1xf32> to vector<256x128xf32>
      %add3A_521 = arith.addf %add3A_520, %slice3A_519 : vector<256x128xf32>
      %lt3A_522 = arith.cmpf olt, %add3A_521, %select_n3A_515 : vector<256x128xf32>
      %select_n3A_523 = arith.select %lt3A_522, %add3A_521, %select_n3A_515 : vector<256x128xi1>, vector<256x128xf32>
      %jit3A_524 = arith.constant 2.600000e+01 : f32
      %broadcast_in_dim3A_525 = vector.broadcast %jit3A_524 : f32 to vector<256x128xf32>
      %select_n3A_526 = arith.select %lt3A_522, %broadcast_in_dim3A_525, %select_n3A_518 : vector<256x128xi1>, vector<256x128xf32>
      %slice3A_527 = vector.extract_strided_slice %dot_general3A_306 {offsets = [0, 3456], sizes = [256, 128], strides = [1, 1]} : vector<256x4096xf32> to vector<256x128xf32>
      %add3A_528 = vector.broadcast %broadcast_in_dim3A : vector<256x1xf32> to vector<256x128xf32>
      %add3A_529 = arith.addf %add3A_528, %slice3A_527 : vector<256x128xf32>
      %lt3A_530 = arith.cmpf olt, %add3A_529, %select_n3A_523 : vector<256x128xf32>
      %select_n3A_531 = arith.select %lt3A_530, %add3A_529, %select_n3A_523 : vector<256x128xi1>, vector<256x128xf32>
      %jit3A_532 = arith.constant 2.700000e+01 : f32
      %broadcast_in_dim3A_533 = vector.broadcast %jit3A_532 : f32 to vector<256x128xf32>
      %select_n3A_534 = arith.select %lt3A_530, %broadcast_in_dim3A_533, %select_n3A_526 : vector<256x128xi1>, vector<256x128xf32>
      %slice3A_535 = vector.extract_strided_slice %dot_general3A_306 {offsets = [0, 3584], sizes = [256, 128], strides = [1, 1]} : vector<256x4096xf32> to vector<256x128xf32>
      %add3A_536 = vector.broadcast %broadcast_in_dim3A : vector<256x1xf32> to vector<256x128xf32>
      %add3A_537 = arith.addf %add3A_536, %slice3A_535 : vector<256x128xf32>
      %lt3A_538 = arith.cmpf olt, %add3A_537, %select_n3A_531 : vector<256x128xf32>
      %select_n3A_539 = arith.select %lt3A_538, %add3A_537, %select_n3A_531 : vector<256x128xi1>, vector<256x128xf32>
      %jit3A_540 = arith.constant 2.800000e+01 : f32
      %broadcast_in_dim3A_541 = vector.broadcast %jit3A_540 : f32 to vector<256x128xf32>
      %select_n3A_542 = arith.select %lt3A_538, %broadcast_in_dim3A_541, %select_n3A_534 : vector<256x128xi1>, vector<256x128xf32>
      %slice3A_543 = vector.extract_strided_slice %dot_general3A_306 {offsets = [0, 3712], sizes = [256, 128], strides = [1, 1]} : vector<256x4096xf32> to vector<256x128xf32>
      %add3A_544 = vector.broadcast %broadcast_in_dim3A : vector<256x1xf32> to vector<256x128xf32>
      %add3A_545 = arith.addf %add3A_544, %slice3A_543 : vector<256x128xf32>
      %lt3A_546 = arith.cmpf olt, %add3A_545, %select_n3A_539 : vector<256x128xf32>
      %select_n3A_547 = arith.select %lt3A_546, %add3A_545, %select_n3A_539 : vector<256x128xi1>, vector<256x128xf32>
      %jit3A_548 = arith.constant 2.900000e+01 : f32
      %broadcast_in_dim3A_549 = vector.broadcast %jit3A_548 : f32 to vector<256x128xf32>
      %select_n3A_550 = arith.select %lt3A_546, %broadcast_in_dim3A_549, %select_n3A_542 : vector<256x128xi1>, vector<256x128xf32>
      %slice3A_551 = vector.extract_strided_slice %dot_general3A_306 {offsets = [0, 3840], sizes = [256, 128], strides = [1, 1]} : vector<256x4096xf32> to vector<256x128xf32>
      %add3A_552 = vector.broadcast %broadcast_in_dim3A : vector<256x1xf32> to vector<256x128xf32>
      %add3A_553 = arith.addf %add3A_552, %slice3A_551 : vector<256x128xf32>
      %lt3A_554 = arith.cmpf olt, %add3A_553, %select_n3A_547 : vector<256x128xf32>
      %select_n3A_555 = arith.select %lt3A_554, %add3A_553, %select_n3A_547 : vector<256x128xi1>, vector<256x128xf32>
      %jit3A_556 = arith.constant 3.000000e+01 : f32
      %broadcast_in_dim3A_557 = vector.broadcast %jit3A_556 : f32 to vector<256x128xf32>
      %select_n3A_558 = arith.select %lt3A_554, %broadcast_in_dim3A_557, %select_n3A_550 : vector<256x128xi1>, vector<256x128xf32>
      %slice3A_559 = vector.extract_strided_slice %dot_general3A_306 {offsets = [0, 3968], sizes = [256, 128], strides = [1, 1]} : vector<256x4096xf32> to vector<256x128xf32>
      %add3A_560 = vector.broadcast %broadcast_in_dim3A : vector<256x1xf32> to vector<256x128xf32>
      %add3A_561 = arith.addf %add3A_560, %slice3A_559 : vector<256x128xf32>
      %lt3A_562 = arith.cmpf olt, %add3A_561, %select_n3A_555 : vector<256x128xf32>
      %select_n3A_563 = arith.select %lt3A_562, %add3A_561, %select_n3A_555 : vector<256x128xi1>, vector<256x128xf32>
      %jit3A_564 = arith.constant 3.100000e+01 : f32
      %broadcast_in_dim3A_565 = vector.broadcast %jit3A_564 : f32 to vector<256x128xf32>
      %select_n3A_566 = arith.select %lt3A_562, %broadcast_in_dim3A_565, %select_n3A_558 : vector<256x128xi1>, vector<256x128xf32>
      %reduce_min3A_567 = arith.constant dense<0x7F800000> : vector<256xf32>
      %reduce_min3A_568 = vector.multi_reduction <minimumf>, %select_n3A_563, %reduce_min3A_567 [1] : vector<256x128xf32> to vector<256xf32>
      %broadcast_in_dim3A_569 = vector.shape_cast %reduce_min3A_568 : vector<256xf32> to vector<256x1xf32>
      %mul3A_570 = arith.constant 1.280000e+02 : f32
      %mul3A_571 = vector.broadcast %mul3A_570 : f32 to vector<256x128xf32>
      %mul3A_572 = arith.mulf %select_n3A_566, %mul3A_571 : vector<256x128xf32>
      %add3A_573 = arith.addf %mul3A_572, %convert_element_type3A : vector<256x128xf32>
      %eq3A_574 = vector.broadcast %broadcast_in_dim3A_569 : vector<256x1xf32> to vector<256x128xf32>
      %eq3A_575 = arith.cmpf oeq, %select_n3A_563, %eq3A_574 : vector<256x128xf32>
      %jit3A_576 = arith.constant 8.192000e+03 : f32
      %broadcast_in_dim3A_577 = vector.broadcast %jit3A_576 : f32 to vector<256x128xf32>
      %select_n3A_578 = arith.select %eq3A_575, %add3A_573, %broadcast_in_dim3A_577 : vector<256x128xi1>, vector<256x128xf32>
      %reduce_min3A_579 = arith.constant dense<0x7F800000> : vector<256xf32>
      %reduce_min3A_580 = vector.multi_reduction <minimumf>, %select_n3A_578, %reduce_min3A_579 [1] : vector<256x128xf32> to vector<256xf32>
      %broadcast_in_dim3A_581 = vector.shape_cast %reduce_min3A_580 : vector<256xf32> to vector<256x1xf32>
      %add3A_582 = arith.constant 4.096000e+03 : f32
      %add3A_583 = vector.broadcast %add3A_582 : f32 to vector<256x1xf32>
      %add3A_584 = arith.addf %broadcast_in_dim3A_581, %add3A_583 : vector<256x1xf32>
      %lt3A_585 = arith.cmpf olt, %broadcast_in_dim3A_569, %convert_element_type3A_301 : vector<256x1xf32>
      %select_n3A_586 = arith.select %lt3A_585, %add3A_584, %select_n3A_298 : vector<256x1xi1>, vector<256x1xf32>
      %convert_element_type3A_587 = arith.fptosi %select_n3A_586 : vector<256x1xf32> to vector<256x1xi32>
      %swap3A_588 = arith.index_cast %multiple_of3A : i32 to index
      %swap3A_589 = arith.constant 0 : index
      %swap3A_590 = vector.load %arg2[%swap3A_588, %swap3A_589] : memref<8192x1xi32, #tpu.memory_space<vmem>>, vector<256x1xi32>
      tpu.vector_store %arg2[%swap3A_588, %swap3A_589], %convert_element_type3A_587 {strides = array<i32>} : memref<8192x1xi32, #tpu.memory_space<vmem>>, vector<256x1xi32>,
    }
    %scan3A_9 = arith.constant 32 : i32
    return
  }
}

</mosaic_0001>

<sc_bundles>
// kernel: kernel.4.cloned.1.call-start
scs
__scs_entry_jumppad:
0x0: {  	(pc) =	sbr.rel $0x88, $3  }
0x1: {  	(tag) =	ssettag $0x0;
	lr =	simm.s32 $0x1  }
0x2: {  	[smem:$0x3F9F] =	sst lr;
	_ =	strace $0xD0000000  }
0x3: {  	_ = 	snop  }
0x4: {  	_ = 	snop  }
0x5: {  	_ = 	snop  }
0x6: {  	_ = 	snop  }
0x7: {  	_ = 	snop  }
__scs_overlays_trampoline_lowered:
0x8: {  	[smem:$0x3FAE] =	sst s0  }
0x9: {  	[smem:$0x3FAF] =	sst s1  }
0xa: {  	[smem:$0x3FB0] =	sst s2  }
0xb: {  	[smem:$0x3FB1] =	sst s3  }
0xc: {  	[smem:$0x3FB2] =	sst s4  }
0xd: {  	[smem:$0x3FB3] =	sst s5  }
0xe: {  	[smem:$0x3FB4] =	sst s6  }
0xf: {  	[smem:$0x3FB5] =	sst s7  }
0x10: {  	[smem:$0x3FB6] =	sst s8  }
0x11: {  	[smem:$0x3FB7] =	sst s9;
	s0 =	simm.s32 @!p0 $0x0  }
0x12: {  	s1 =	sld [smem:$0x3F9D];
	s0 =	simm.s32 @p0 $0x1  }
0x13: {  	[smem:$0x3FB8] =	sst s0;
	s0 =	simm.s32 @!p1 $0x0  }
0x14: {  	s2 =	sld [smem:$0x3F9C];
	s0 =	simm.s32 @p1 $0x1  }
0x15: {  	[smem:$0x3FB9] =	sst s0;
	s0 =	simm.s32 @!p2 $0x0  }
0x16: {  	s3 =	sld [smem:$0x3FDB];
	s0 =	simm.s32 @p2 $0x1  }
0x17: {  	s4 =	simm.s32 $0x1BF5;
	[smem:$0x3FBB] =	sst s0  }
0x18: {  	s0 =	sld [smem:$0x3F9E];
	_ =	swait.ge [sflag:s4], $0x0  }
0x19: {  	s7 =	sld [smem:$0x3F9F]  }
0x1a: {  	s8 =	sadd.s32 $0xFFFFE003, lr  }
0x1b: {  	s9 =	sadd.s32 $0xFFFFFEF7, lr;
	s5 =	simm.s32 $0xFFFFFFFF;
	p2 =	slt.u32 s8, $0xFFFFF086  }
0x1c: {  	p1 =	slt.u32 s9, $0xF7A;
	s5 =	simm.s32 @!p2 $0x0  }
0x1d: {  	s5 =	simm.s32 @p1 $0x1;
	p0 =	seq.s32 s7, s2  }
0x1e: {  	s7 =	smul.u32 @!p0 $0xF7A, s2;
	p2 =	seq.s32 @!p0 s5, $0x0  }
0x1f: {  	s9 =	smul.u32 $0xF7A, s1;
	s8 =	simm.s32 @!p0 $0x1BF5;
	p2 =	por !p2, p0  }
0x20: {  	[sflag:s8] =	ssyncset.s32 @!p0 $0xFFFFF086;
	s6 =	sadd.s32 @!p0 s3, s7;
	s7 =	simm.s32 @!p0 $0x108  }
0x21: {  	s3 =	sadd.s32 s3, s9;
	s6 =	sadd.s32 @!p0 $0x88, s6;
	s7 =	simm.s32 @p2 $0x1082  }
0x22: {  	[simem:s7], [sflag:s8] =	dma.local @!p0 [hbm:s6], $0xF7A  }
0x23: {  	s9 =	sor.u32 $0xD0000000, s2;
	s6 =	simm.s32 $0x108;
	_ =	swait.ge @!p0 [sflag:s8], $0x0  }
0x24: {  	s3 =	sadd.s32 $0x88, s3;
	s6 =	simm.s32 @!p1 $0x1082;
	[sflag:s4] =	ssyncset.s32 $0xFFFFF086  }
0x25: {  	[simem:s6], [sflag:s4] =	dma.local [hbm:s3], $0xF7A  }
0x26: {  	[smem:$0x3F9F] =	sst s1;
	(tag) =	ssettag s2;
	_ =	strace s9  }
0x27: {  	s1 =	sld [smem:$0x3FAF]  }
0x28: {  	s2 =	sld [smem:$0x3FB0]  }
0x29: {  	s4 =	sld [smem:$0x3FB2]  }
0x2a: {  	p0 =	seq.s32 s5, $0x0;
	s5 =	sld [smem:$0x3FB3]  }
0x2b: {  	s6 =	sld [smem:$0x3FB4]  }
0x2c: {  	s7 =	sld [smem:$0x3FB5]  }
0x2d: {  	s3 =	simm.s32 $0x108;
	s8 =	sld [smem:$0x3FB6]  }
0x2e: {  	s3 =	simm.s32 @!p0 $0x1082;
	s9 =	sld [smem:$0x3FB7]  }
0x2f: {  	lr =	sadd.s32 s0, s3;
	s0 =	sld [smem:$0x3FAE]  }
0x30: {  	s3 =	sld [smem:$0x3FB1]  }
0x31: {  	[smem:$0x3FBA] =	sst s10  }
0x32: {  	s10 =	sld [smem:$0x3FB8];
	_ =	sdelay $0x3  }
0x33: {  	p0 =	seq.s32 s10, $0x1;
	s10 =	sld [smem:$0x3FBA];
	_ =	sdelay $0x3  }
0x34: {  	[smem:$0x3FBA] =	sst s10  }
0x35: {  	s10 =	sld [smem:$0x3FB9];
	_ =	sdelay $0x3  }
0x36: {  	p1 =	seq.s32 s10, $0x1;
	s10 =	sld [smem:$0x3FBA];
	_ =	sdelay $0x3  }
0x37: {  	[smem:$0x3FBA] =	sst s10  }
0x38: {  	s10 =	sld [smem:$0x3FBB]  }
0x39: {  	_ = 	snop;
	(pc) =	sbr.ind lr, $3  }
0x3a: {  	_ = 	snop  }
0x3b: {  	_ = 	snop  }
0x3c: {  	p2 =	seq.s32 s10, $0x1;
	s10 =	sld [smem:$0x3FBA]  }
0x3d: {  	_ =	shalt  }
0x3e: {  	_ =	shalt  }
0x3f: {  	_ =	shalt  }
0x40: {  	_ =	shalt  }
0x41: {  	_ =	shalt  }
0x42: {  	_ =	shalt  }
0x43: {  	_ =	shalt  }
0x44: {  	_ =	shalt  }
0x45: {  	_ =	shalt  }
0x46: {  	_ =	shalt  }
0x47: {  	_ =	shalt  }
0x48: {  	_ =	shalt  }
0x49: {  	_ =	shalt  }
0x4a: {  	_ =	shalt  }
0x4b: {  	_ =	shalt  }
0x4c: {  	_ =	shalt  }
0x4d: {  	_ =	shalt  }
0x4e: {  	_ =	shalt  }
0x4f: {  	_ =	shalt  }
0x50: {  	_ =	shalt  }
0x51: {  	_ =	shalt  }
0x52: {  	_ =	shalt  }
0x53: {  	_ =	shalt  }
0x54: {  	_ =	shalt  }
0x55: {  	_ =	shalt  }
0x56: {  	_ =	shalt  }
0x57: {  	_ =	shalt  }
0x58: {  	_ =	shalt  }
0x59: {  	_ =	shalt  }
0x5a: {  	_ =	shalt  }
0x5b: {  	_ =	shalt  }
0x5c: {  	_ =	shalt  }
0x5d: {  	_ =	shalt  }
0x5e: {  	_ =	shalt  }
0x5f: {  	_ =	shalt  }
0x60: {  	_ =	shalt  }
0x61: {  	_ =	shalt  }
0x62: {  	_ =	shalt  }
0x63: {  	_ =	shalt  }
0x64: {  	_ =	shalt  }
0x65: {  	_ =	shalt  }
0x66: {  	_ =	shalt  }
0x67: {  	_ =	shalt  }
0x68: {  	_ =	shalt  }
0x69: {  	_ =	shalt  }
0x6a: {  	_ =	shalt  }
0x6b: {  	_ =	shalt  }
0x6c: {  	_ =	shalt  }
0x6d: {  	_ =	shalt  }
0x6e: {  	_ =	shalt  }
0x6f: {  	_ =	shalt  }
0x70: {  	_ =	shalt  }
0x71: {  	_ =	shalt  }
0x72: {  	_ =	shalt  }
0x73: {  	_ =	shalt  }
0x74: {  	_ =	shalt  }
0x75: {  	_ =	shalt  }
0x76: {  	_ =	shalt  }
0x77: {  	_ =	shalt  }
0x78: {  	_ =	shalt  }
0x79: {  	_ =	shalt  }
0x7a: {  	_ =	shalt  }
0x7b: {  	_ =	shalt  }
0x7c: {  	_ =	shalt  }
0x7d: {  	_ =	shalt  }
0x7e: {  	_ =	shalt  }
0x7f: {  	_ =	shalt  }
0x80: {  	_ =	shalt  }
0x81: {  	_ =	shalt  }
0x82: {  	_ =	shalt  }
0x83: {  	_ =	shalt  }
0x84: {  	_ =	shalt  }
0x85: {  	_ =	shalt  }
0x86: {  	_ =	shalt  }
0x87: {  	_ =	shalt  }
.Lfunc_end0:
.L_simem_size_0:
called_computation_lowered:
.L_overlay_start_0:
0x88: {  	s2 =	sld [smem:$0x3FD9]  }
0x89: {  	s3 =	sld [smem:$0x3FFE];
	_ =	sdelay $0x1  }
0x8a: {  	s1 =	srdreg.scid  }
0x8b: {  	s0 =	sand.u32 $0x1, s1  }
0x8c: {  	s14 =	sshll.u32 s0, $0xA;
	s2 =	sadd.s32 s3, s2  }
0x8d: {  	s2 =	sadd.s32 s2, s14  }
0x8e: {  	[smem:$0x3FC6] =	sst s2  }
0x8f: {  	_ = 	snop  }
0x90: {  	s2 =	sld [smem:$0x3FD0];
	_ =	sdelay $0x2  }
0x91: {  	s15 =	simm.s32 $0xA;
	s4 =	simm.s32 $0x10  }
0x92: {  	[smem:s4], [sflag:s15] =	dma.local [hbm:s2], $0x1  }
0x93: {  	_ =	swait.eq [sflag:s15], $0x1  }
0x94: {  	[sflag:s15] =	ssyncset.done $0x0  }
0x95: {  	[sflag:s15] =	ssyncadd.s32 $0xFFFFFFFF  }
0x96: {  	s16 =	sld [smem:$0x10];
	(tm) =	ssettm $0x1  }
0x97: {  	s17 =	sld [smem:$0x3FFB];
	_ =	sdelay $0x3  }
0x98: {  	_ =	strace s17  }
0x99: {  	s3 =	sld [smem:$0x3FFC];
	_ =	sdelay $0x3  }
0x9a: {  	_ =	strace s3  }
0x9b: {  	s3 =	sld [smem:$0x3FFD];
	_ =	sdelay $0x3  }
0x9c: {  	_ =	strace s3  }
0x9d: {  	_ =	strace $0x8FFFFFFF  }
0x9e: {  	s18 =	sld [smem:$0x3FDB];
	_ =	sdelay $0x1  }
0x9f: {  	s19 =	simm.s32 $_scs_section_size  }
0xa0: {  	s5 =	simm.s32 $_size__tile_overlayer_lowered;
	s6 =	simm.s32 $_tile_overlayer_lowered  }
0xa1: {  	s22 =	simm.s32 $0x1BFF;
	s21 =	sshll.u32 s6, $0x1;
	s3 =	sadd.s32 s19, s18  }
0xa2: {  	s7 =	simm.s32 $0x0;
	s20 =	sshll.u32 s5, $0x1;
	s5 =	sadd.s32 s21, s3  }
0xa3: {  	[timem:s7], [sflag:s22] =	dma.local [hbm:s5], s20  }
0xa4: {  	_ =	swait.ge [sflag:s22], s20  }
0xa5: {  	s4 =	ssub.s32 $0x0, s20;
	[sflag:s22] =	ssyncset.done $0x0  }
0xa6: {  	[sflag:s22] =	ssyncadd.s32 s4;
	_ =	sdelay $0x1  }
0xa7: {  	s23 =	simm.s32 $0x1B8B  }
0xa8: {  	_ =	swait.ge [sflag:s23], $0x1  }
0xa9: {  	[sflag:s23] =	ssyncset.done $0x0  }
0xaa: {  	s25 =	simm.s32 $0x1B8E;
	s24 =	sld [smem:$0x3FFE];
	[sflag:s23] =	ssyncadd.s32 $0xFFFFFFFF  }
0xab: {  	s26 =	simm.s32 $execute0_lowered;
	[smem:$0x3FD2] =	sst s25  }
0xac: {  	s5 =	sshll.u32 s26, $0x1;
	_ =	strace $0x80000046;
	[dreg:$0x1] =	wrdreg $0xFFFFFFFF  }
0xad: {  	s28 =	simm.s32 $_size_execute0_lowered;
	s3 =	sadd.s32 s3, s5;
	[dreg:$0x0] =	wrdreg $0x0  }
0xae: {  	s5 =	sshll.u32 s28, $0x1;
	[dreg:$0x2] =	wrdreg s3  }
0xaf: {  	[dreg:$0x3] =	wrdreg s5  }
0xb0: {  	[dreg:$0x4] =	wrdreg $0xC0  }
0xb1: {  	_ =	task [dreg:s7], $0x5FFFF  }
0xb2: {  	[dreg:$0x1] =	wrdreg $0xFFFFFFFF  }
0xb3: {  	[dreg:$0x0] =	wrdreg $0x60  }
0xb4: {  	[dreg:$0x2] =	wrdreg s16  }
0xb5: {  	[dreg:$0x3] =	wrdreg s24  }
0xb6: {  	[dreg:$0x4] =	wrdreg $0x9  }
0xb7: {  	_ =	task.clear_ibuf [dreg:s7], $0x5FFFF;
	_ =	strace $0x90000046  }
0xb8: {  	s29 =	simm.s32 $0x9;
	_ =	strace $0x80000048  }
0xb9: {  	_ =	swait.ge [sflag:s29], $0x1  }
0xba: {  	[sflag:s29] =	ssyncadd.s32 $0xFFFFFFFF  }
0xbb: {  	_ =	strace $0x90000048  }
0xbc: {  	_ =	sfence  }
0xbd: {  	s30 =	sld [smem:$0x0];
	_ =	sdelay $0x2  }
0xbe: {  	s31 =	sshll.u32 s1, $0xD;
	s1 =	sshrl.u32 s1, $0x2  }
0xbf: {  	s3 =	sand.u32 $0x4000, s31;
	s1 =	sadd.s32 s1, s30  }
0xc0: {  	s0 =	sor.u32 s3, s0;
	s1 =	sshll.u32 s1, $0x11  }
0xc1: {  	s0 =	sor.u32 s1, s0  }
0xc2: {  	s0 =	sadd.s32 $0x8F2B, s0  }
0xc3: {  	[sflag:s0] =	ssyncadd.remote.s32 $0x1  }
0xc4: {  	_ =	sfence.sel $0xFFFF  }
0xc5: {  	[dreg:$0x0] =	wrdreg $0xFFFFFFFF;
	(pc) =	sbr.abs _section_cstart, $3  }
0xc6: {  	[dreg:$0x1] =	wrdreg $0xFFFFFFFF  }
0xc7: {  	_ =	task.clear_ibuf [dreg:s7], $0x2FFFF;
	_ =	strace $0x9FFFFFFF  }
0xc8: {  	(tm) =	ssettm $0x7FFFFFFF  }
0xc9: {  	_ =	shalt  }
tec
execute0_lowered:
.L_overlay_start_1:
0x0: {  	(tag) =	ssettag $0x1  }
0x1: {  	s2 =	rddreg [dreg:$0x0]  }
0x2: {  	s4 =	rddreg [dreg:$0x1]  }
0x3: {  	s0 =	rddreg [dreg:$0x2]  }
0x4: {  	s5 =	srdreg.scid;
	s1 =	stileid.u32;
	s3 =	simm.s32 $0x0  }
0x5: {  	s11 =	simm.s32 $0x100;
	s12 =	simm.s32 $0x1;
	s13 =	simm.s32 $0x2100  }
0x6: {  	s14 =	simm.s32 $0x4100;
	s15 =	simm.s32 $0x8100;
	s16 =	simm.s32 $0x0  }
0x7: {  	s5 =	sand.u32 $0x1, s5;
	s6 =	sshll.u32 s1, $0x1;
	[smem:$0x7FF] =	sst s3  }
0x8: {  	s6 =	sor.u32 s5, s6;
	_ =	strace $0x80000047;
	s5 =	ssub.s32 $0x2, s5  }
0x9: {  	s7 =	sshll.u32 s6, $0x5;
	s8 =	sshll.u32 s6, $0xB;
	s6 =	sshll.u32 s6, $0x1  }
0xa: {  	s9 =	sshrl.u32 s5, $0x1;
	s7 =	sadd.s32 s7, s4;
	s8 =	sadd.s32 s8, s4  }
0xb: {  	s10 =	sadd.s32 s6, s4;
	s9 =	ssub.s32 s5, s9;
	s4 =	sadd.s32 $0x10400, s7  }
0xc: {  	s5 =	sadd.s32 $0x400, s8;
	s6 =	sadd.s32 $0x10800, s8;
	s7 =	sadd.s32 $0x20800, s10  }
0xd: {  	s8 =	smax.u32 s9, $0x1;
	s9 =	simm.s32 $0x2;
	s10 =	simm.s32 $0x80  }
.LBB2_1:
0xe: {  	[tilespmem:s3], [sflag:$0x2] =	stream.linear.gather [hbm4b:s4+s3], $0x100, $0x38;
	[tilespmem:$0x8110] =	vst v63  }
0xf: {  	_ =	swait.ge [sflag:s9], $0x100  }
0x10: {  	[sflag:s9] =	ssyncset.done $0x0  }
0x11: {  	[sflag:s9] =	ssyncadd.s32 $0xFFFFFF00  }
0x12: {  	[tilespmem:s11], [sflag:$0x1] =	stream.indirect.gather [hbm4b:s2+s10], $0x40, s3, s10, $0xb8;
	[tilespmem:$0x8110] =	vst v63  }
0x13: {  	_ =	swait.ge [sflag:s12], $0x2000  }
0x14: {  	[sflag:s12] =	ssyncset.done $0x0  }
0x15: {  	[sflag:s12] =	ssyncadd.s32 $0xFFFFE000  }
0x16: {  	[tilespmem:s13], [sflag:$0x1] =	stream.indirect.gather [hbm4b:s2+s10], $0x40, s10, s10, $0xb8;
	[tilespmem:$0x8110] =	vst v63  }
0x17: {  	_ =	swait.ge [sflag:s12], $0x2000  }
0x18: {  	[sflag:s12] =	ssyncset.done $0x0  }
0x19: {  	[sflag:s12] =	ssyncadd.s32 $0xFFFFE000  }
0x1a: {  	[tilespmem:s14], [sflag:$0x2] =	stream.linear.gather [hbm4b:s5+s3], $0x4000, $0x38;
	[tilespmem:$0x8110] =	vst v63  }
0x1b: {  	_ =	swait.ge [sflag:s9], $0x4000  }
0x1c: {  	[sflag:s9] =	ssyncset.done $0x0  }
0x1d: {  	s18 =	simm.s32 $0x0;
	[sflag:s9] =	ssyncadd.s32 $0xFFFFC000  }
0x1e: {  	v1 =	vld [tilespmem:s18+$0x4130]  }
0x1f: {  	v5 =	vld [tilespmem:s18+$0x4120]  }
0x20: {  	v0 =	vld [tilespmem:s18+$0x130]  }
0x21: {  	v10 =	vld [tilespmem:s18+$0x4110]  }
0x22: {  	v3 =	vld [tilespmem:s18+$0x120]  }
0x23: {  	v6 =	vld [tilespmem:s18+$0x4100]  }
0x24: {  	v7 =	vld [tilespmem:s18+$0x100]  }
0x25: {  	v8 =	vld [tilespmem:s18+$0x110];
	v2 =	vsub.f32 v1, v0  }
0x26: {  	s17 =	simm.s32 $0x40  }
0x27: {  	v0 =	vld [tilespmem:s17+$0x4130];
	v4 =	vsub.f32 v5, v3;
	v9 =	vsub.f32 v1, v2  }
0x28: {  	v3 =	vld [tilespmem:s17+$0x4110]  }
0x29: {  	v1 =	vld [tilespmem:s17+$0x4120];
	v11 =	vsub.f32 v5, v4;
	[tilespmem:s18+$0x130] =	vst v9;
	v9 =	vsub.f32 v6, v7  }
0x2a: {  	v7 =	vsub.f32 v10, v8  }
0x2b: {  	v5 =	vld [tilespmem:s17+$0x130];
	[tilespmem:s18+$0x120] =	vst v11;
	v11 =	vsub.f32 v6, v9  }
0x2c: {  	s19 =	simm.s32 $0x200;
	v8 =	vimm.f32 $0.0e+00;
	v9 =	vmul.f32 v9, v9;
	v6 =	vld [tilespmem:s17+$0x120];
	v10 =	vsub.f32 v10, v7  }
.LBB2_2:
0x2d: {  	p0 =	sne.s32 s19, $0xFF00;
	v12 =	vld [tilespmem:s17+$0x4100];
	[tilespmem:s18+$0x100] =	vst v11;
	s20 =	smov.u32 s19;
	s19 =	sadd.s32 $0x100, s19  }
0x2e: {  	v8 =	vadd.f32 v9, v8;
	v7 =	vmul.f32 v7, v7;
	v11 =	vld [tilespmem:s17+$0x100];
	[tilespmem:s18+$0x110] =	vst v10;
	s18 =	smov.u32 s17  }
0x2f: {  	v9 =	vld [tilespmem:s18+$0x110];
	v10 =	vmov v3  }
0x30: {  	v3 =	vsub.f32 v0, v5;
	v5 =	vadd.f32 v7, v8;
	v7 =	vmul.f32 v4, v4  }
0x31: {  	s17 =	sshra.s32 s20, $0x2;
	v4 =	vsub.f32 v1, v6  }
.Ltmp0:
0x32: {  	v8 =	vmul.f32 v2, v2;
	v6 =	vsub.f32 v0, v3;
	v0 =	vld [tilespmem:s17+$0x4130];
	v5 =	vadd.f32 v7, v5;
	v2 =	vmovc v3;
	(pc) =	sbr.rel @p0 .LBB2_2-.Ltmp0, $4  }
0x33: {  	v13 =	vsub.f32 v12, v11;
	v14 =	vsub.f32 v1, v4;
	v1 =	vld [tilespmem:s17+$0x4120]  }
0x34: {  	v3 =	vld [tilespmem:s17+$0x4110];
	v7 =	vsub.f32 v10, v9;
	[tilespmem:s18+$0x130] =	vst v6;
	v8 =	vadd.f32 v8, v5  }
0x35: {  	v5 =	vld [tilespmem:s17+$0x130];
	v11 =	vsub.f32 v12, v13;
	v9 =	vmul.f32 v13, v13;
	[tilespmem:s18+$0x120] =	vst v14  }
0x36: {  	v6 =	vld [tilespmem:s17+$0x120];
	v10 =	vsub.f32 v10, v7  }
0x37: {  	v12 =	vld [tilespmem:s17+$0x4100];
	[tilespmem:s18+$0x100] =	vst v11  }
0x38: {  	v11 =	vld [tilespmem:s17+$0x100]  }
0x39: {  	v8 =	vadd.f32 v9, v8;
	v7 =	vmul.f32 v7, v7;
	[tilespmem:s18+$0x110] =	vst v10  }
0x3a: {  	v54 =	vld [tilespmem:s17+$0x110]  }
0x3b: {  	v4 =	vmul.f32 v4, v4;
	v7 =	vadd.f32 v7, v8;
	_ =	sdelay $0x1  }
0x3c: {  	v2 =	vmul.f32 v2, v2;
	v4 =	vadd.f32 v4, v7;
	v55 =	vsub.f32 v12, v11;
	_ =	sdelay $0x1  }
0x3d: {  	v2 =	vadd.f32 v2, v4;
	v56 =	vsub.f32 v3, v54;
	v57 =	vmul.f32 v55, v55  }
0x3e: {  	v5 =	vsub.f32 v0, v5  }
0x3f: {  	v6 =	vsub.f32 v1, v6;
	v58 =	vmul.f32 v56, v56;
	v2 =	vadd.f32 v57, v2;
	_ =	sdelay $0x1  }
0x40: {  	v0 =	vsub.f32 v0, v5;
	v59 =	vmul.f32 v6, v6;
	v2 =	vadd.f32 v58, v2  }
0x41: {  	v1 =	vsub.f32 v1, v6  }
0x42: {  	v61 =	vmul.f32 v5, v5;
	[tilespmem:s17+$0x130] =	vst v0;
	v60 =	vsub.f32 v12, v55;
	v2 =	vadd.f32 v59, v2  }
0x43: {  	[tilespmem:s17+$0x120] =	vst v1;
	v62 =	vsub.f32 v3, v56  }
0x44: {  	[tilespmem:s17+$0x100] =	vst v60;
	v63 =	vadd.f32 v61, v2  }
0x45: {  	[tilespmem:s17+$0x110] =	vst v62  }
0x46: {  	[tilespmem:$0x8100] =	vst v63  }
0x47: {  	[hbm4b:s6+s3] =	stream.linear.scatter [tilespmem:s11], [sflag:$0x2], $0x4000, $0x38;
	[tilespmem:$0x8110] =	vst v63  }
0x48: {  	s16 =	sadd.s32 $0x1, s16;
	_ =	swait.ge [sflag:s9], $0x4000  }
0x49: {  	p0 =	sne.s32 s16, s8;
	[sflag:s9] =	ssyncset.done $0x0  }
.Ltmp1:
0x4a: {  	[sflag:s9] =	ssyncadd.s32 $0xFFFFC000;
	(pc) =	sbr.rel @p0 .LBB2_1-.Ltmp1, $4  }
0x4b: {  	[hbm4b:s7+s3] =	stream.linear.scatter [tilespmem:s15], [sflag:$0x2], $0x10, $0x38;
	[tilespmem:$0x8110] =	vst v63  }
0x4c: {  	_ =	swait.ge [sflag:s9], $0x10  }
0x4d: {  	[sflag:s9] =	ssyncset.done $0x0  }
0x4e: {  	[sflag:s9] =	ssyncadd.s32 $0xFFFFFFF0  }
0x4f: {  	_ =	sfence.sel $0x180000  }
0x50: {  	[bflag:$0x0] =	sbarrier.arrive $0xFFFF  }
0x51: {  	p0 =	sne.s32 s1, $0x0;
	_ =	strace $0x90000047  }
0x52: {  	s0 =	sadd.s32 @!p0 $0x100000, s0;
	[bflag:$0x2] =	sbarrier.arrive $0xFFFF  }
0x53: {  	[sflag:s0] =	ssyncadd.tile.s32 @!p0 $0x1;
	_ =	shalt  }
.Lfunc_end2:
_tile_overlayer_lowered:
.L_overlay_start_2:
0x54: {  	(tag) =	ssettag $0x2  }
0x55: {  	s0 =	rddreg [dreg:$0x0];
	s2 =	stileid.u32  }
0x56: {  	s1 =	rddreg [dreg:$0x1];
	p0 =	sne.s32 s2, $0x0  }
0x57: {  	s3 =	rddreg [dreg:$0x2];
	[bflag:$0x3] =	sbarrier.arrive $0xFFFF;
	s2 =	simm.s32 @!p0 $0x1C02  }
0x58: {  	[timem:s3], [sflag:s2] =	dma.local @!p0 [hbm:s0], s1  }
0x59: {  	s0 =	simm.s32 @!p0 $0x2  }
0x5a: {  	_ =	swait.ge @!p0 [sflag:s0], s1  }
0x5b: {  	s1 =	ssub.s32 @!p0 $0x0, s1;
	[sflag:s0] =	ssyncset.done @!p0 $0x0  }
0x5c: {  	[sflag:s0] =	ssyncadd.s32 @!p0 s1  }
0x5d: {  	[bflag:$0x3] =	sbarrier.arrive $0xFFFF  }
0x5e: {  	_ =	shalt  }

</sc_bundles>
